<compile_context>
chip_gen: v7x
topology: tpu7x:2x2x1
jax: 0.10.2.dev20260603
libtpu: 0.0.44.dev20260713+nightly
codegen_flags: <defaults>
</compile_context>

<pallas_src>
import functools

import jax
import jax.numpy as jnp
from jax import lax
from jax.experimental import pallas as pl
from jax.experimental.pallas import tpu as pltpu
from jax.experimental.pallas import tpu_sc as plsc

VOCAB = 100000
EMBED = 64
ROWS = 4096
COLS = 50
NUM_WORKERS = 32
IBLK = ROWS // NUM_WORKERS
NBUF = 5
NSTEP = COLS // NBUF

_MESH = plsc.VectorSubcoreMesh(core_axis_name="c", subcore_axis_name="s")


@functools.partial(
    pl.kernel,
    mesh=_MESH,
    out_type=jax.ShapeDtypeStruct((COLS, ROWS, EMBED), jnp.float32),
    scratch_types=[
        pltpu.VMEM((COLS, IBLK), jnp.int32),
        pltpu.VMEM((NBUF, IBLK, EMBED), jnp.float32),
        pltpu.SemaphoreType.DMA((NBUF,)),
        pltpu.SemaphoreType.DMA((NBUF,)),
    ],
    compiler_params=pltpu.CompilerParams(use_tc_tiling_on_sc=False),
)
def _sc_gather(idx_hbm, table_hbm, out_hbm, idx_v, g_v, gsem, ssem):
    wid = lax.axis_index("s") * 2 + lax.axis_index("c")
    i0 = wid * IBLK
    pltpu.sync_copy(idx_hbm.at[wid], idx_v)

    for b in range(NBUF):
        pltpu.async_copy(table_hbm.at[idx_v.at[b]], g_v.at[b], gsem.at[b])

    def superstep(s, carry):
        j0 = s * NBUF
        for b in range(NBUF):
            j = j0 + b
            pltpu.make_async_copy(
                table_hbm.at[idx_v.at[0]], g_v.at[b], gsem.at[b]).wait()
            pltpu.async_copy(
                g_v.at[b], out_hbm.at[j, pl.ds(i0, IBLK)], ssem.at[b])

            @pl.when(j + NBUF < COLS)
            def _():
                pltpu.make_async_copy(
                    g_v.at[b], out_hbm.at[0, pl.ds(i0, IBLK)],
                    ssem.at[b]).wait()
                pltpu.async_copy(
                    table_hbm.at[idx_v.at[j + NBUF]], g_v.at[b], gsem.at[b])
        return carry

    lax.fori_loop(0, NSTEP, superstep, 0)

    for b in range(NBUF):
        pltpu.make_async_copy(
            g_v.at[b], out_hbm.at[0, pl.ds(i0, IBLK)], ssem.at[b]).wait()


def _tc_transpose_body(x_ref, o_ref):
    x = x_ref[0]
    o_ref[0] = jnp.concatenate([x[:, :EMBED].T, x[:, EMBED:].T], axis=1)


_tc_transpose = pl.pallas_call(
    _tc_transpose_body,
    grid=(COLS, ROWS // 128),
    in_specs=[pl.BlockSpec((1, 64, 128), lambda j, ib: (j, ib, 0))],
    out_specs=pl.BlockSpec((1, EMBED, 128), lambda j, ib: (j, 0, ib)),
    out_shape=jax.ShapeDtypeStruct((COLS, EMBED, ROWS), jnp.float32),
)


def kernel(indices, weight):
    idx = (indices.astype(jnp.int32)
           .reshape(NUM_WORKERS, 2, IBLK // 2, COLS)
           .transpose(0, 2, 1, 3)
           .reshape(NUM_WORKERS, IBLK, COLS)
           .transpose(0, 2, 1))
    out_j = _sc_gather(idx, weight)
    xb = out_j.reshape(COLS, ROWS // 2, 2 * EMBED)
    out_t = _tc_transpose(xb)
    return out_t.transpose(2, 0, 1)

# --- scband reference (transcript-rebuilt; emitter-appended) ---
"""Pipeline reference for scband-variable-embedding-592705487025 (READ-ONLY COPY).

The authoritative reference and input builder live on the scoring server;
editing this copy changes nothing except your own understanding.
"""

import jax, jax.numpy as jnp
import numpy as np

VOCAB = 100000
EMBED = 64

def setup_inputs(seed: int = 0) -> dict:
    key = jax.random.key(seed)
    k_idx, k_w = jax.random.split(key)
    indices = jax.random.randint(k_idx, (4096, 50), 0, VOCAB, dtype=jnp.int64)
    # nn.Embedding default init: N(0, 1)
    weight = jax.random.normal(k_w, (VOCAB, EMBED), dtype=jnp.float32)
    return {"indices": indices, "weight": weight}

def reference(indices, weight):
    # VariableEmbedding is a plain nn.Embedding lookup
    return jnp.take(weight, indices, axis=0)

if __name__ == "__main__":
    import jax
    _d = setup_inputs()
    print(jax.jit(kernel)(*tuple(_d.values())))

</pallas_src>

<mosaic_0001>
#map = affine_map<(d0, d1) -> (0, 0, 0)>
#map1 = affine_map<(d0, d1) -> (0, 0)>
module attributes {stable_mosaic.version = 14 : i64} {
  func.func @_sc_gather(%arg0: i32, %arg1: i32, %arg2: memref<32x50x128xi32, #tpu.memory_space<hbm>>, %arg3: memref<100000x64xf32, #tpu.memory_space<hbm>>, %arg4: memref<50x4096x64xf32, #tpu.memory_space<hbm>>, %arg5: memref<50x128xi32, #tpu.memory_space<vmem>>, %arg6: memref<5x128x64xf32, #tpu.memory_space<vmem>>, %arg7: memref<5x!tpu.dma_semaphore, #tpu.memory_space<semaphore_mem>>, %arg8: memref<5x!tpu.dma_semaphore, #tpu.memory_space<semaphore_mem>>) attributes {dimension_semantics = [#tpu.dimension_semantics<core_parallel>, #tpu.dimension_semantics<subcore_parallel>], iteration_bounds = array<i64: 2, 16>, scalar_prefetch = 0 : i64, scratch_operands = 4 : i64, tpu.core_type = #tpu.core_type<sc_vector_subcore>, window_params = [{transform_indices = #map}, {transform_indices = #map1}, {transform_indices = #map}]} {
    %mul3A = arith.constant 2 : i32
    %mul3A_0 = arith.muli %arg1, %mul3A : i32
    %add3A = arith.addi %mul3A_0, %arg0 : i32
    %mul3A_1 = arith.constant 128 : i32
    %mul3A_2 = arith.muli %add3A, %mul3A_1 : i32
    "tpu.region"() ({
      %run_scoped3A = tpu.sem_alloc : memref<!tpu.dma_semaphore, #tpu.memory_space<semaphore_mem>>
      %dma_start3A_176 = arith.constant 0 : i32
      %dma_start3A_177 = arith.constant 0 : i32
      %dma_start3A_178 = tpu.memref_slice %arg2[%add3A, %dma_start3A_176, %dma_start3A_177] : memref<32x50x128xi32, #tpu.memory_space<hbm>> -> memref<1x50x128xi32, #tpu.memory_space<hbm>>
      %dma_start3A_179 = tpu.memref_squeeze %dma_start3A_178 : memref<1x50x128xi32, #tpu.memory_space<hbm>> -> memref<50x128xi32, #tpu.memory_space<hbm>>
      %dma_start3A_180 = arith.constant 0 : i32
      %dma_start3A_181 = arith.constant 0 : i32
      %dma_start3A_182 = tpu.memref_slice %arg2[%add3A, %dma_start3A_180, %dma_start3A_181] : memref<32x50x128xi32, #tpu.memory_space<hbm>> -> memref<1x50x128xi32, #tpu.memory_space<hbm>>
      %dma_start3A_183 = tpu.memref_squeeze %dma_start3A_182 : memref<1x50x128xi32, #tpu.memory_space<hbm>> -> memref<50x128xi32, #tpu.memory_space<hbm>>
      tpu.enqueue_dma source(%dma_start3A_183 : memref<50x128xi32, #tpu.memory_space<hbm>>) target(%arg5 : memref<50x128xi32, #tpu.memory_space<vmem>>) target_semaphore(%run_scoped3A : memref<!tpu.dma_semaphore, #tpu.memory_space<semaphore_mem>>)
      %dma_wait3A_184 = arith.constant 0 : i32
      %dma_wait3A_185 = arith.constant 0 : i32
      %dma_wait3A_186 = tpu.memref_slice %arg2[%add3A, %dma_wait3A_184, %dma_wait3A_185] : memref<32x50x128xi32, #tpu.memory_space<hbm>> -> memref<1x50x128xi32, #tpu.memory_space<hbm>>
      %dma_wait3A_187 = tpu.memref_squeeze %dma_wait3A_186 : memref<1x50x128xi32, #tpu.memory_space<hbm>> -> memref<50x128xi32, #tpu.memory_space<hbm>>
      %dma_wait3A_188 = arith.constant 0 : i32
      %dma_wait3A_189 = arith.constant 0 : i32
      %dma_wait3A_190 = tpu.memref_slice %arg2[%add3A, %dma_wait3A_188, %dma_wait3A_189] : memref<32x50x128xi32, #tpu.memory_space<hbm>> -> memref<1x50x128xi32, #tpu.memory_space<hbm>>
      %dma_wait3A_191 = tpu.memref_squeeze %dma_wait3A_190 : memref<1x50x128xi32, #tpu.memory_space<hbm>> -> memref<50x128xi32, #tpu.memory_space<hbm>>
      tpu.wait_dma2 semaphore(%run_scoped3A : memref<!tpu.dma_semaphore, #tpu.memory_space<semaphore_mem>>) src(%dma_wait3A_191 : memref<50x128xi32, #tpu.memory_space<hbm>>) dst(%arg5 : memref<50x128xi32, #tpu.memory_space<vmem>>)
      tpu.yield
    }) : () -> ()
    %dma_start3A = arith.constant 0 : i32
    %dma_start3A_3 = arith.constant 0 : i32
    %dma_start3A_4 = arith.constant 0 : i32
    %dma_start3A_5 = arith.constant 0 : i32
    %dma_start3A_6 = arith.constant 0 : i32
    %dma_start3A_7 = tpu.memref_slice %arg6[%dma_start3A_3, %dma_start3A_5, %dma_start3A_6] : memref<5x128x64xf32, #tpu.memory_space<vmem>> -> memref<1x128x64xf32, #tpu.memory_space<vmem>>
    %dma_start3A_8 = tpu.memref_squeeze %dma_start3A_7 : memref<1x128x64xf32, #tpu.memory_space<vmem>> -> memref<128x64xf32, #tpu.memory_space<vmem>>
    %dma_start3A_9 = arith.constant 0 : i32
    %dma_start3A_10 = tpu.memref_slice %arg5[%dma_start3A, %dma_start3A_9] : memref<50x128xi32, #tpu.memory_space<vmem>> -> memref<1x128xi32, #tpu.memory_space<vmem>>
    %dma_start3A_11 = tpu.memref_squeeze %dma_start3A_10 : memref<1x128xi32, #tpu.memory_space<vmem>> -> memref<128xi32, #tpu.memory_space<vmem>>
    %dma_start3A_12 = arith.constant 0 : i32
    %dma_start3A_13 = arith.constant 0 : i32
    %dma_start3A_14 = tpu.memref_slice %arg3[%dma_start3A_12, %dma_start3A_13] : memref<100000x64xf32, #tpu.memory_space<hbm>> -> memref<100000x64xf32, #tpu.memory_space<hbm>>
    %dma_start3A_15 = tpu.memref_slice %arg7[%dma_start3A_4] : memref<5x!tpu.dma_semaphore, #tpu.memory_space<semaphore_mem>> -> memref<1x!tpu.dma_semaphore, #tpu.memory_space<semaphore_mem>>
    %dma_start3A_16 = tpu.memref_squeeze %dma_start3A_15 : memref<1x!tpu.dma_semaphore, #tpu.memory_space<semaphore_mem>> -> memref<!tpu.dma_semaphore, #tpu.memory_space<semaphore_mem>>
    tpu.enqueue_indirect_dma source(%dma_start3A_14 : memref<100000x64xf32, #tpu.memory_space<hbm>>) target(%dma_start3A_8 : memref<128x64xf32, #tpu.memory_space<vmem>>) offsets(%dma_start3A_11 : memref<128xi32, #tpu.memory_space<vmem>>) semaphore(%dma_start3A_16 : memref<!tpu.dma_semaphore, #tpu.memory_space<semaphore_mem>>)
    %dma_start3A_17 = arith.constant 1 : i32
    %dma_start3A_18 = arith.constant 1 : i32
    %dma_start3A_19 = arith.constant 1 : i32
    %dma_start3A_20 = arith.constant 0 : i32
    %dma_start3A_21 = arith.constant 0 : i32
    %dma_start3A_22 = tpu.memref_slice %arg6[%dma_start3A_18, %dma_start3A_20, %dma_start3A_21] : memref<5x128x64xf32, #tpu.memory_space<vmem>> -> memref<1x128x64xf32, #tpu.memory_space<vmem>>
    %dma_start3A_23 = tpu.memref_squeeze %dma_start3A_22 : memref<1x128x64xf32, #tpu.memory_space<vmem>> -> memref<128x64xf32, #tpu.memory_space<vmem>>
    %dma_start3A_24 = arith.constant 0 : i32
    %dma_start3A_25 = tpu.memref_slice %arg5[%dma_start3A_17, %dma_start3A_24] : memref<50x128xi32, #tpu.memory_space<vmem>> -> memref<1x128xi32, #tpu.memory_space<vmem>>
    %dma_start3A_26 = tpu.memref_squeeze %dma_start3A_25 : memref<1x128xi32, #tpu.memory_space<vmem>> -> memref<128xi32, #tpu.memory_space<vmem>>
    %dma_start3A_27 = arith.constant 0 : i32
    %dma_start3A_28 = arith.constant 0 : i32
    %dma_start3A_29 = tpu.memref_slice %arg3[%dma_start3A_27, %dma_start3A_28] : memref<100000x64xf32, #tpu.memory_space<hbm>> -> memref<100000x64xf32, #tpu.memory_space<hbm>>
    %dma_start3A_30 = tpu.memref_slice %arg7[%dma_start3A_19] : memref<5x!tpu.dma_semaphore, #tpu.memory_space<semaphore_mem>> -> memref<1x!tpu.dma_semaphore, #tpu.memory_space<semaphore_mem>>
    %dma_start3A_31 = tpu.memref_squeeze %dma_start3A_30 : memref<1x!tpu.dma_semaphore, #tpu.memory_space<semaphore_mem>> -> memref<!tpu.dma_semaphore, #tpu.memory_space<semaphore_mem>>
    tpu.enqueue_indirect_dma source(%dma_start3A_29 : memref<100000x64xf32, #tpu.memory_space<hbm>>) target(%dma_start3A_23 : memref<128x64xf32, #tpu.memory_space<vmem>>) offsets(%dma_start3A_26 : memref<128xi32, #tpu.memory_space<vmem>>) semaphore(%dma_start3A_31 : memref<!tpu.dma_semaphore, #tpu.memory_space<semaphore_mem>>)
    %dma_start3A_32 = arith.constant 2 : i32
    %dma_start3A_33 = arith.constant 2 : i32
    %dma_start3A_34 = arith.constant 2 : i32
    %dma_start3A_35 = arith.constant 0 : i32
    %dma_start3A_36 = arith.constant 0 : i32
    %dma_start3A_37 = tpu.memref_slice %arg6[%dma_start3A_33, %dma_start3A_35, %dma_start3A_36] : memref<5x128x64xf32, #tpu.memory_space<vmem>> -> memref<1x128x64xf32, #tpu.memory_space<vmem>>
    %dma_start3A_38 = tpu.memref_squeeze %dma_start3A_37 : memref<1x128x64xf32, #tpu.memory_space<vmem>> -> memref<128x64xf32, #tpu.memory_space<vmem>>
    %dma_start3A_39 = arith.constant 0 : i32
    %dma_start3A_40 = tpu.memref_slice %arg5[%dma_start3A_32, %dma_start3A_39] : memref<50x128xi32, #tpu.memory_space<vmem>> -> memref<1x128xi32, #tpu.memory_space<vmem>>
    %dma_start3A_41 = tpu.memref_squeeze %dma_start3A_40 : memref<1x128xi32, #tpu.memory_space<vmem>> -> memref<128xi32, #tpu.memory_space<vmem>>
    %dma_start3A_42 = arith.constant 0 : i32
    %dma_start3A_43 = arith.constant 0 : i32
    %dma_start3A_44 = tpu.memref_slice %arg3[%dma_start3A_42, %dma_start3A_43] : memref<100000x64xf32, #tpu.memory_space<hbm>> -> memref<100000x64xf32, #tpu.memory_space<hbm>>
    %dma_start3A_45 = tpu.memref_slice %arg7[%dma_start3A_34] : memref<5x!tpu.dma_semaphore, #tpu.memory_space<semaphore_mem>> -> memref<1x!tpu.dma_semaphore, #tpu.memory_space<semaphore_mem>>
    %dma_start3A_46 = tpu.memref_squeeze %dma_start3A_45 : memref<1x!tpu.dma_semaphore, #tpu.memory_space<semaphore_mem>> -> memref<!tpu.dma_semaphore, #tpu.memory_space<semaphore_mem>>
    tpu.enqueue_indirect_dma source(%dma_start3A_44 : memref<100000x64xf32, #tpu.memory_space<hbm>>) target(%dma_start3A_38 : memref<128x64xf32, #tpu.memory_space<vmem>>) offsets(%dma_start3A_41 : memref<128xi32, #tpu.memory_space<vmem>>) semaphore(%dma_start3A_46 : memref<!tpu.dma_semaphore, #tpu.memory_space<semaphore_mem>>)
    %dma_start3A_47 = arith.constant 3 : i32
    %dma_start3A_48 = arith.constant 3 : i32
    %dma_start3A_49 = arith.constant 3 : i32
    %dma_start3A_50 = arith.constant 0 : i32
    %dma_start3A_51 = arith.constant 0 : i32
    %dma_start3A_52 = tpu.memref_slice %arg6[%dma_start3A_48, %dma_start3A_50, %dma_start3A_51] : memref<5x128x64xf32, #tpu.memory_space<vmem>> -> memref<1x128x64xf32, #tpu.memory_space<vmem>>
    %dma_start3A_53 = tpu.memref_squeeze %dma_start3A_52 : memref<1x128x64xf32, #tpu.memory_space<vmem>> -> memref<128x64xf32, #tpu.memory_space<vmem>>
    %dma_start3A_54 = arith.constant 0 : i32
    %dma_start3A_55 = tpu.memref_slice %arg5[%dma_start3A_47, %dma_start3A_54] : memref<50x128xi32, #tpu.memory_space<vmem>> -> memref<1x128xi32, #tpu.memory_space<vmem>>
    %dma_start3A_56 = tpu.memref_squeeze %dma_start3A_55 : memref<1x128xi32, #tpu.memory_space<vmem>> -> memref<128xi32, #tpu.memory_space<vmem>>
    %dma_start3A_57 = arith.constant 0 : i32
    %dma_start3A_58 = arith.constant 0 : i32
    %dma_start3A_59 = tpu.memref_slice %arg3[%dma_start3A_57, %dma_start3A_58] : memref<100000x64xf32, #tpu.memory_space<hbm>> -> memref<100000x64xf32, #tpu.memory_space<hbm>>
    %dma_start3A_60 = tpu.memref_slice %arg7[%dma_start3A_49] : memref<5x!tpu.dma_semaphore, #tpu.memory_space<semaphore_mem>> -> memref<1x!tpu.dma_semaphore, #tpu.memory_space<semaphore_mem>>
    %dma_start3A_61 = tpu.memref_squeeze %dma_start3A_60 : memref<1x!tpu.dma_semaphore, #tpu.memory_space<semaphore_mem>> -> memref<!tpu.dma_semaphore, #tpu.memory_space<semaphore_mem>>
    tpu.enqueue_indirect_dma source(%dma_start3A_59 : memref<100000x64xf32, #tpu.memory_space<hbm>>) target(%dma_start3A_53 : memref<128x64xf32, #tpu.memory_space<vmem>>) offsets(%dma_start3A_56 : memref<128xi32, #tpu.memory_space<vmem>>) semaphore(%dma_start3A_61 : memref<!tpu.dma_semaphore, #tpu.memory_space<semaphore_mem>>)
    %dma_start3A_62 = arith.constant 4 : i32
    %dma_start3A_63 = arith.constant 4 : i32
    %dma_start3A_64 = arith.constant 4 : i32
    %dma_start3A_65 = arith.constant 0 : i32
    %dma_start3A_66 = arith.constant 0 : i32
    %dma_start3A_67 = tpu.memref_slice %arg6[%dma_start3A_63, %dma_start3A_65, %dma_start3A_66] : memref<5x128x64xf32, #tpu.memory_space<vmem>> -> memref<1x128x64xf32, #tpu.memory_space<vmem>>
    %dma_start3A_68 = tpu.memref_squeeze %dma_start3A_67 : memref<1x128x64xf32, #tpu.memory_space<vmem>> -> memref<128x64xf32, #tpu.memory_space<vmem>>
    %dma_start3A_69 = arith.constant 0 : i32
    %dma_start3A_70 = tpu.memref_slice %arg5[%dma_start3A_62, %dma_start3A_69] : memref<50x128xi32, #tpu.memory_space<vmem>> -> memref<1x128xi32, #tpu.memory_space<vmem>>
    %dma_start3A_71 = tpu.memref_squeeze %dma_start3A_70 : memref<1x128xi32, #tpu.memory_space<vmem>> -> memref<128xi32, #tpu.memory_space<vmem>>
    %dma_start3A_72 = arith.constant 0 : i32
    %dma_start3A_73 = arith.constant 0 : i32
    %dma_start3A_74 = tpu.memref_slice %arg3[%dma_start3A_72, %dma_start3A_73] : memref<100000x64xf32, #tpu.memory_space<hbm>> -> memref<100000x64xf32, #tpu.memory_space<hbm>>
    %dma_start3A_75 = tpu.memref_slice %arg7[%dma_start3A_64] : memref<5x!tpu.dma_semaphore, #tpu.memory_space<semaphore_mem>> -> memref<1x!tpu.dma_semaphore, #tpu.memory_space<semaphore_mem>>
    %dma_start3A_76 = tpu.memref_squeeze %dma_start3A_75 : memref<1x!tpu.dma_semaphore, #tpu.memory_space<semaphore_mem>> -> memref<!tpu.dma_semaphore, #tpu.memory_space<semaphore_mem>>
    tpu.enqueue_indirect_dma source(%dma_start3A_74 : memref<100000x64xf32, #tpu.memory_space<hbm>>) target(%dma_start3A_68 : memref<128x64xf32, #tpu.memory_space<vmem>>) offsets(%dma_start3A_71 : memref<128xi32, #tpu.memory_space<vmem>>) semaphore(%dma_start3A_76 : memref<!tpu.dma_semaphore, #tpu.memory_space<semaphore_mem>>)
    %scan3A = arith.constant 0 : i32
    %scan3A_77 = arith.constant 0 : i32
    %scan3A_78 = arith.constant 10 : i32
    %scan3A_79 = arith.addi %scan3A_77, %scan3A_78 : i32
    %scan3A_80 = arith.constant 1 : i32
    scf.for %scan3A_176 = %scan3A_77 to %scan3A_79 step %scan3A_80  : i32 {
      %mul3A_177 = arith.constant 5 : i32
      %mul3A_178 = arith.muli %scan3A_176, %mul3A_177 : i32
      %add3A_179 = arith.constant 0 : i32
      %add3A_180 = arith.addi %mul3A_178, %add3A_179 : i32
      %dma_wait3A_181 = arith.constant 0 : i32
      %dma_wait3A_182 = arith.constant 0 : i32
      %dma_wait3A_183 = arith.constant 0 : i32
      %dma_wait3A_184 = arith.constant 0 : i32
      %dma_wait3A_185 = arith.constant 0 : i32
      %dma_wait3A_186 = tpu.memref_slice %arg6[%dma_wait3A_182, %dma_wait3A_184, %dma_wait3A_185] : memref<5x128x64xf32, #tpu.memory_space<vmem>> -> memref<1x128x64xf32, #tpu.memory_space<vmem>>
      %dma_wait3A_187 = tpu.memref_squeeze %dma_wait3A_186 : memref<1x128x64xf32, #tpu.memory_space<vmem>> -> memref<128x64xf32, #tpu.memory_space<vmem>>
      %dma_wait3A_188 = arith.constant 0 : i32
      %dma_wait3A_189 = tpu.memref_slice %arg5[%dma_wait3A_181, %dma_wait3A_188] : memref<50x128xi32, #tpu.memory_space<vmem>> -> memref<1x128xi32, #tpu.memory_space<vmem>>
      %dma_wait3A_190 = tpu.memref_squeeze %dma_wait3A_189 : memref<1x128xi32, #tpu.memory_space<vmem>> -> memref<128xi32, #tpu.memory_space<vmem>>
      %dma_wait3A_191 = arith.constant 0 : i32
      %dma_wait3A_192 = arith.constant 0 : i32
      %dma_wait3A_193 = tpu.memref_slice %arg3[%dma_wait3A_191, %dma_wait3A_192] : memref<100000x64xf32, #tpu.memory_space<hbm>> -> memref<100000x64xf32, #tpu.memory_space<hbm>>
      %dma_wait3A_194 = tpu.memref_slice %arg7[%dma_wait3A_183] : memref<5x!tpu.dma_semaphore, #tpu.memory_space<semaphore_mem>> -> memref<1x!tpu.dma_semaphore, #tpu.memory_space<semaphore_mem>>
      %dma_wait3A_195 = tpu.memref_squeeze %dma_wait3A_194 : memref<1x!tpu.dma_semaphore, #tpu.memory_space<semaphore_mem>> -> memref<!tpu.dma_semaphore, #tpu.memory_space<semaphore_mem>>
      tpu.wait_indirect_dma semaphore(%dma_wait3A_195 : memref<!tpu.dma_semaphore, #tpu.memory_space<semaphore_mem>>) src(%dma_wait3A_193 : memref<100000x64xf32, #tpu.memory_space<hbm>>) dst(%dma_wait3A_187 : memref<128x64xf32, #tpu.memory_space<vmem>>)
      %dma_start3A_196 = arith.constant 0 : i32
      %dma_start3A_197 = arith.constant 0 : i32
      %dma_start3A_198 = arith.constant 0 : i32
      %dma_start3A_199 = arith.constant 0 : i32
      %dma_start3A_200 = tpu.memref_slice %arg6[%dma_start3A_196, %dma_start3A_198, %dma_start3A_199] : memref<5x128x64xf32, #tpu.memory_space<vmem>> -> memref<1x128x64xf32, #tpu.memory_space<vmem>>
      %dma_start3A_201 = tpu.memref_squeeze %dma_start3A_200 : memref<1x128x64xf32, #tpu.memory_space<vmem>> -> memref<128x64xf32, #tpu.memory_space<vmem>>
      %dma_start3A_202 = arith.constant 0 : i32
      %dma_start3A_203 = tpu.memref_slice %arg4[%add3A_180, %mul3A_2, %dma_start3A_202] : memref<50x4096x64xf32, #tpu.memory_space<hbm>> -> memref<1x128x64xf32, #tpu.memory_space<hbm>>
      %dma_start3A_204 = tpu.memref_squeeze %dma_start3A_203 : memref<1x128x64xf32, #tpu.memory_space<hbm>> -> memref<128x64xf32, #tpu.memory_space<hbm>>
      %dma_start3A_205 = tpu.memref_slice %arg8[%dma_start3A_197] : memref<5x!tpu.dma_semaphore, #tpu.memory_space<semaphore_mem>> -> memref<1x!tpu.dma_semaphore, #tpu.memory_space<semaphore_mem>>
      %dma_start3A_206 = tpu.memref_squeeze %dma_start3A_205 : memref<1x!tpu.dma_semaphore, #tpu.memory_space<semaphore_mem>> -> memref<!tpu.dma_semaphore, #tpu.memory_space<semaphore_mem>>
      %dma_start3A_207 = arith.constant 0 : i32
      %dma_start3A_208 = tpu.memref_slice %arg4[%add3A_180, %mul3A_2, %dma_start3A_207] : memref<50x4096x64xf32, #tpu.memory_space<hbm>> -> memref<1x128x64xf32, #tpu.memory_space<hbm>>
      %dma_start3A_209 = tpu.memref_squeeze %dma_start3A_208 : memref<1x128x64xf32, #tpu.memory_space<hbm>> -> memref<128x64xf32, #tpu.memory_space<hbm>>
      %dma_start3A_210 = arith.constant 0 : i32
      %dma_start3A_211 = arith.constant 0 : i32
      %dma_start3A_212 = tpu.memref_slice %arg6[%dma_start3A_196, %dma_start3A_210, %dma_start3A_211] : memref<5x128x64xf32, #tpu.memory_space<vmem>> -> memref<1x128x64xf32, #tpu.memory_space<vmem>>
      %dma_start3A_213 = tpu.memref_squeeze %dma_start3A_212 : memref<1x128x64xf32, #tpu.memory_space<vmem>> -> memref<128x64xf32, #tpu.memory_space<vmem>>
      tpu.enqueue_dma source(%dma_start3A_213 : memref<128x64xf32, #tpu.memory_space<vmem>>) target(%dma_start3A_209 : memref<128x64xf32, #tpu.memory_space<hbm>>) target_semaphore(%dma_start3A_206 : memref<!tpu.dma_semaphore, #tpu.memory_space<semaphore_mem>>)
      %add3A_214 = arith.constant 5 : i32
      %add3A_215 = arith.addi %add3A_180, %add3A_214 : i32
      %lt3A = arith.constant 50 : i32
      %lt3A_216 = arith.cmpi slt, %add3A_215, %lt3A : i32
      %convert_element_type3A = arith.extui %lt3A_216 : i1 to i32
      %cond3A = arith.constant 0 : i32
      %cond3A_217 = arith.cmpi ne, %convert_element_type3A, %cond3A : i32
      scf.if %cond3A_217 {
        %dma_wait3A_386 = arith.constant 0 : i32
        %dma_wait3A_387 = arith.constant 0 : i32
        %dma_wait3A_388 = arith.constant 0 : i32
        %dma_wait3A_389 = arith.constant 0 : i32
        %dma_wait3A_390 = arith.constant 0 : i32
        %dma_wait3A_391 = tpu.memref_slice %arg6[%dma_wait3A_386, %dma_wait3A_389, %dma_wait3A_390] : memref<5x128x64xf32, #tpu.memory_space<vmem>> -> memref<1x128x64xf32, #tpu.memory_space<vmem>>
        %dma_wait3A_392 = tpu.memref_squeeze %dma_wait3A_391 : memref<1x128x64xf32, #tpu.memory_space<vmem>> -> memref<128x64xf32, #tpu.memory_space<vmem>>
        %dma_wait3A_393 = arith.constant 0 : i32
        %dma_wait3A_394 = tpu.memref_slice %arg4[%dma_wait3A_387, %mul3A_2, %dma_wait3A_393] : memref<50x4096x64xf32, #tpu.memory_space<hbm>> -> memref<1x128x64xf32, #tpu.memory_space<hbm>>
        %dma_wait3A_395 = tpu.memref_squeeze %dma_wait3A_394 : memref<1x128x64xf32, #tpu.memory_space<hbm>> -> memref<128x64xf32, #tpu.memory_space<hbm>>
        %dma_wait3A_396 = tpu.memref_slice %arg8[%dma_wait3A_388] : memref<5x!tpu.dma_semaphore, #tpu.memory_space<semaphore_mem>> -> memref<1x!tpu.dma_semaphore, #tpu.memory_space<semaphore_mem>>
        %dma_wait3A_397 = tpu.memref_squeeze %dma_wait3A_396 : memref<1x!tpu.dma_semaphore, #tpu.memory_space<semaphore_mem>> -> memref<!tpu.dma_semaphore, #tpu.memory_space<semaphore_mem>>
        %dma_wait3A_398 = arith.constant 0 : i32
        %dma_wait3A_399 = tpu.memref_slice %arg4[%dma_wait3A_387, %mul3A_2, %dma_wait3A_398] : memref<50x4096x64xf32, #tpu.memory_space<hbm>> -> memref<1x128x64xf32, #tpu.memory_space<hbm>>
        %dma_wait3A_400 = tpu.memref_squeeze %dma_wait3A_399 : memref<1x128x64xf32, #tpu.memory_space<hbm>> -> memref<128x64xf32, #tpu.memory_space<hbm>>
        %dma_wait3A_401 = arith.constant 0 : i32
        %dma_wait3A_402 = arith.constant 0 : i32
        %dma_wait3A_403 = tpu.memref_slice %arg6[%dma_wait3A_386, %dma_wait3A_401, %dma_wait3A_402] : memref<5x128x64xf32, #tpu.memory_space<vmem>> -> memref<1x128x64xf32, #tpu.memory_space<vmem>>
        %dma_wait3A_404 = tpu.memref_squeeze %dma_wait3A_403 : memref<1x128x64xf32, #tpu.memory_space<vmem>> -> memref<128x64xf32, #tpu.memory_space<vmem>>
        tpu.wait_dma2 semaphore(%dma_wait3A_397 : memref<!tpu.dma_semaphore, #tpu.memory_space<semaphore_mem>>) src(%dma_wait3A_404 : memref<128x64xf32, #tpu.memory_space<vmem>>) dst(%dma_wait3A_400 : memref<128x64xf32, #tpu.memory_space<hbm>>)
        %add3A_405 = arith.constant 5 : i32
        %add3A_406 = arith.addi %add3A_180, %add3A_405 : i32
        %dma_start3A_407 = arith.constant 0 : i32
        %dma_start3A_408 = arith.constant 0 : i32
        %dma_start3A_409 = arith.constant 0 : i32
        %dma_start3A_410 = arith.constant 0 : i32
        %dma_start3A_411 = tpu.memref_slice %arg6[%dma_start3A_407, %dma_start3A_409, %dma_start3A_410] : memref<5x128x64xf32, #tpu.memory_space<vmem>> -> memref<1x128x64xf32, #tpu.memory_space<vmem>>
        %dma_start3A_412 = tpu.memref_squeeze %dma_start3A_411 : memref<1x128x64xf32, #tpu.memory_space<vmem>> -> memref<128x64xf32, #tpu.memory_space<vmem>>
        %dma_start3A_413 = arith.constant 0 : i32
        %dma_start3A_414 = tpu.memref_slice %arg5[%add3A_406, %dma_start3A_413] : memref<50x128xi32, #tpu.memory_space<vmem>> -> memref<1x128xi32, #tpu.memory_space<vmem>>
        %dma_start3A_415 = tpu.memref_squeeze %dma_start3A_414 : memref<1x128xi32, #tpu.memory_space<vmem>> -> memref<128xi32, #tpu.memory_space<vmem>>
        %dma_start3A_416 = arith.constant 0 : i32
        %dma_start3A_417 = arith.constant 0 : i32
        %dma_start3A_418 = tpu.memref_slice %arg3[%dma_start3A_416, %dma_start3A_417] : memref<100000x64xf32, #tpu.memory_space<hbm>> -> memref<100000x64xf32, #tpu.memory_space<hbm>>
        %dma_start3A_419 = tpu.memref_slice %arg7[%dma_start3A_408] : memref<5x!tpu.dma_semaphore, #tpu.memory_space<semaphore_mem>> -> memref<1x!tpu.dma_semaphore, #tpu.memory_space<semaphore_mem>>
        %dma_start3A_420 = tpu.memref_squeeze %dma_start3A_419 : memref<1x!tpu.dma_semaphore, #tpu.memory_space<semaphore_mem>> -> memref<!tpu.dma_semaphore, #tpu.memory_space<semaphore_mem>>
        tpu.enqueue_indirect_dma source(%dma_start3A_418 : memref<100000x64xf32, #tpu.memory_space<hbm>>) target(%dma_start3A_412 : memref<128x64xf32, #tpu.memory_space<vmem>>) offsets(%dma_start3A_415 : memref<128xi32, #tpu.memory_space<vmem>>) semaphore(%dma_start3A_420 : memref<!tpu.dma_semaphore, #tpu.memory_space<semaphore_mem>>)
      } else {
      }
      %add3A_218 = arith.constant 1 : i32
      %add3A_219 = arith.addi %mul3A_178, %add3A_218 : i32
      %dma_wait3A_220 = arith.constant 0 : i32
      %dma_wait3A_221 = arith.constant 1 : i32
      %dma_wait3A_222 = arith.constant 1 : i32
      %dma_wait3A_223 = arith.constant 0 : i32
      %dma_wait3A_224 = arith.constant 0 : i32
      %dma_wait3A_225 = tpu.memref_slice %arg6[%dma_wait3A_221, %dma_wait3A_223, %dma_wait3A_224] : memref<5x128x64xf32, #tpu.memory_space<vmem>> -> memref<1x128x64xf32, #tpu.memory_space<vmem>>
      %dma_wait3A_226 = tpu.memref_squeeze %dma_wait3A_225 : memref<1x128x64xf32, #tpu.memory_space<vmem>> -> memref<128x64xf32, #tpu.memory_space<vmem>>
      %dma_wait3A_227 = arith.constant 0 : i32
      %dma_wait3A_228 = tpu.memref_slice %arg5[%dma_wait3A_220, %dma_wait3A_227] : memref<50x128xi32, #tpu.memory_space<vmem>> -> memref<1x128xi32, #tpu.memory_space<vmem>>
      %dma_wait3A_229 = tpu.memref_squeeze %dma_wait3A_228 : memref<1x128xi32, #tpu.memory_space<vmem>> -> memref<128xi32, #tpu.memory_space<vmem>>
      %dma_wait3A_230 = arith.constant 0 : i32
      %dma_wait3A_231 = arith.constant 0 : i32
      %dma_wait3A_232 = tpu.memref_slice %arg3[%dma_wait3A_230, %dma_wait3A_231] : memref<100000x64xf32, #tpu.memory_space<hbm>> -> memref<100000x64xf32, #tpu.memory_space<hbm>>
      %dma_wait3A_233 = tpu.memref_slice %arg7[%dma_wait3A_222] : memref<5x!tpu.dma_semaphore, #tpu.memory_space<semaphore_mem>> -> memref<1x!tpu.dma_semaphore, #tpu.memory_space<semaphore_mem>>
      %dma_wait3A_234 = tpu.memref_squeeze %dma_wait3A_233 : memref<1x!tpu.dma_semaphore, #tpu.memory_space<semaphore_mem>> -> memref<!tpu.dma_semaphore, #tpu.memory_space<semaphore_mem>>
      tpu.wait_indirect_dma semaphore(%dma_wait3A_234 : memref<!tpu.dma_semaphore, #tpu.memory_space<semaphore_mem>>) src(%dma_wait3A_232 : memref<100000x64xf32, #tpu.memory_space<hbm>>) dst(%dma_wait3A_226 : memref<128x64xf32, #tpu.memory_space<vmem>>)
      %dma_start3A_235 = arith.constant 1 : i32
      %dma_start3A_236 = arith.constant 1 : i32
      %dma_start3A_237 = arith.constant 0 : i32
      %dma_start3A_238 = arith.constant 0 : i32
      %dma_start3A_239 = tpu.memref_slice %arg6[%dma_start3A_235, %dma_start3A_237, %dma_start3A_238] : memref<5x128x64xf32, #tpu.memory_space<vmem>> -> memref<1x128x64xf32, #tpu.memory_space<vmem>>
      %dma_start3A_240 = tpu.memref_squeeze %dma_start3A_239 : memref<1x128x64xf32, #tpu.memory_space<vmem>> -> memref<128x64xf32, #tpu.memory_space<vmem>>
      %dma_start3A_241 = arith.constant 0 : i32
      %dma_start3A_242 = tpu.memref_slice %arg4[%add3A_219, %mul3A_2, %dma_start3A_241] : memref<50x4096x64xf32, #tpu.memory_space<hbm>> -> memref<1x128x64xf32, #tpu.memory_space<hbm>>
      %dma_start3A_243 = tpu.memref_squeeze %dma_start3A_242 : memref<1x128x64xf32, #tpu.memory_space<hbm>> -> memref<128x64xf32, #tpu.memory_space<hbm>>
      %dma_start3A_244 = tpu.memref_slice %arg8[%dma_start3A_236] : memref<5x!tpu.dma_semaphore, #tpu.memory_space<semaphore_mem>> -> memref<1x!tpu.dma_semaphore, #tpu.memory_space<semaphore_mem>>
      %dma_start3A_245 = tpu.memref_squeeze %dma_start3A_244 : memref<1x!tpu.dma_semaphore, #tpu.memory_space<semaphore_mem>> -> memref<!tpu.dma_semaphore, #tpu.memory_space<semaphore_mem>>
      %dma_start3A_246 = arith.constant 0 : i32
      %dma_start3A_247 = tpu.memref_slice %arg4[%add3A_219, %mul3A_2, %dma_start3A_246] : memref<50x4096x64xf32, #tpu.memory_space<hbm>> -> memref<1x128x64xf32, #tpu.memory_space<hbm>>
      %dma_start3A_248 = tpu.memref_squeeze %dma_start3A_247 : memref<1x128x64xf32, #tpu.memory_space<hbm>> -> memref<128x64xf32, #tpu.memory_space<hbm>>
      %dma_start3A_249 = arith.constant 0 : i32
      %dma_start3A_250 = arith.constant 0 : i32
      %dma_start3A_251 = tpu.memref_slice %arg6[%dma_start3A_235, %dma_start3A_249, %dma_start3A_250] : memref<5x128x64xf32, #tpu.memory_space<vmem>> -> memref<1x128x64xf32, #tpu.memory_space<vmem>>
      %dma_start3A_252 = tpu.memref_squeeze %dma_start3A_251 : memref<1x128x64xf32, #tpu.memory_space<vmem>> -> memref<128x64xf32, #tpu.memory_space<vmem>>
      tpu.enqueue_dma source(%dma_start3A_252 : memref<128x64xf32, #tpu.memory_space<vmem>>) target(%dma_start3A_248 : memref<128x64xf32, #tpu.memory_space<hbm>>) target_semaphore(%dma_start3A_245 : memref<!tpu.dma_semaphore, #tpu.memory_space<semaphore_mem>>)
      %add3A_253 = arith.constant 5 : i32
      %add3A_254 = arith.addi %add3A_219, %add3A_253 : i32
      %lt3A_255 = arith.constant 50 : i32
      %lt3A_256 = arith.cmpi slt, %add3A_254, %lt3A_255 : i32
      %convert_element_type3A_257 = arith.extui %lt3A_256 : i1 to i32
      %cond3A_258 = arith.constant 0 : i32
      %cond3A_259 = arith.cmpi ne, %convert_element_type3A_257, %cond3A_258 : i32
      scf.if %cond3A_259 {
        %dma_wait3A_386 = arith.constant 1 : i32
        %dma_wait3A_387 = arith.constant 0 : i32
        %dma_wait3A_388 = arith.constant 1 : i32
        %dma_wait3A_389 = arith.constant 0 : i32
        %dma_wait3A_390 = arith.constant 0 : i32
        %dma_wait3A_391 = tpu.memref_slice %arg6[%dma_wait3A_386, %dma_wait3A_389, %dma_wait3A_390] : memref<5x128x64xf32, #tpu.memory_space<vmem>> -> memref<1x128x64xf32, #tpu.memory_space<vmem>>
        %dma_wait3A_392 = tpu.memref_squeeze %dma_wait3A_391 : memref<1x128x64xf32, #tpu.memory_space<vmem>> -> memref<128x64xf32, #tpu.memory_space<vmem>>
        %dma_wait3A_393 = arith.constant 0 : i32
        %dma_wait3A_394 = tpu.memref_slice %arg4[%dma_wait3A_387, %mul3A_2, %dma_wait3A_393] : memref<50x4096x64xf32, #tpu.memory_space<hbm>> -> memref<1x128x64xf32, #tpu.memory_space<hbm>>
        %dma_wait3A_395 = tpu.memref_squeeze %dma_wait3A_394 : memref<1x128x64xf32, #tpu.memory_space<hbm>> -> memref<128x64xf32, #tpu.memory_space<hbm>>
        %dma_wait3A_396 = tpu.memref_slice %arg8[%dma_wait3A_388] : memref<5x!tpu.dma_semaphore, #tpu.memory_space<semaphore_mem>> -> memref<1x!tpu.dma_semaphore, #tpu.memory_space<semaphore_mem>>
        %dma_wait3A_397 = tpu.memref_squeeze %dma_wait3A_396 : memref<1x!tpu.dma_semaphore, #tpu.memory_space<semaphore_mem>> -> memref<!tpu.dma_semaphore, #tpu.memory_space<semaphore_mem>>
        %dma_wait3A_398 = arith.constant 0 : i32
        %dma_wait3A_399 = tpu.memref_slice %arg4[%dma_wait3A_387, %mul3A_2, %dma_wait3A_398] : memref<50x4096x64xf32, #tpu.memory_space<hbm>> -> memref<1x128x64xf32, #tpu.memory_space<hbm>>
        %dma_wait3A_400 = tpu.memref_squeeze %dma_wait3A_399 : memref<1x128x64xf32, #tpu.memory_space<hbm>> -> memref<128x64xf32, #tpu.memory_space<hbm>>
        %dma_wait3A_401 = arith.constant 0 : i32
        %dma_wait3A_402 = arith.constant 0 : i32
        %dma_wait3A_403 = tpu.memref_slice %arg6[%dma_wait3A_386, %dma_wait3A_401, %dma_wait3A_402] : memref<5x128x64xf32, #tpu.memory_space<vmem>> -> memref<1x128x64xf32, #tpu.memory_space<vmem>>
        %dma_wait3A_404 = tpu.memref_squeeze %dma_wait3A_403 : memref<1x128x64xf32, #tpu.memory_space<vmem>> -> memref<128x64xf32, #tpu.memory_space<vmem>>
        tpu.wait_dma2 semaphore(%dma_wait3A_397 : memref<!tpu.dma_semaphore, #tpu.memory_space<semaphore_mem>>) src(%dma_wait3A_404 : memref<128x64xf32, #tpu.memory_space<vmem>>) dst(%dma_wait3A_400 : memref<128x64xf32, #tpu.memory_space<hbm>>)
        %add3A_405 = arith.constant 5 : i32
        %add3A_406 = arith.addi %add3A_219, %add3A_405 : i32
        %dma_start3A_407 = arith.constant 1 : i32
        %dma_start3A_408 = arith.constant 1 : i32
        %dma_start3A_409 = arith.constant 0 : i32
        %dma_start3A_410 = arith.constant 0 : i32
        %dma_start3A_411 = tpu.memref_slice %arg6[%dma_start3A_407, %dma_start3A_409, %dma_start3A_410] : memref<5x128x64xf32, #tpu.memory_space<vmem>> -> memref<1x128x64xf32, #tpu.memory_space<vmem>>
        %dma_start3A_412 = tpu.memref_squeeze %dma_start3A_411 : memref<1x128x64xf32, #tpu.memory_space<vmem>> -> memref<128x64xf32, #tpu.memory_space<vmem>>
        %dma_start3A_413 = arith.constant 0 : i32
        %dma_start3A_414 = tpu.memref_slice %arg5[%add3A_406, %dma_start3A_413] : memref<50x128xi32, #tpu.memory_space<vmem>> -> memref<1x128xi32, #tpu.memory_space<vmem>>
        %dma_start3A_415 = tpu.memref_squeeze %dma_start3A_414 : memref<1x128xi32, #tpu.memory_space<vmem>> -> memref<128xi32, #tpu.memory_space<vmem>>
        %dma_start3A_416 = arith.constant 0 : i32
        %dma_start3A_417 = arith.constant 0 : i32
        %dma_start3A_418 = tpu.memref_slice %arg3[%dma_start3A_416, %dma_start3A_417] : memref<100000x64xf32, #tpu.memory_space<hbm>> -> memref<100000x64xf32, #tpu.memory_space<hbm>>
        %dma_start3A_419 = tpu.memref_slice %arg7[%dma_start3A_408] : memref<5x!tpu.dma_semaphore, #tpu.memory_space<semaphore_mem>> -> memref<1x!tpu.dma_semaphore, #tpu.memory_space<semaphore_mem>>
        %dma_start3A_420 = tpu.memref_squeeze %dma_start3A_419 : memref<1x!tpu.dma_semaphore, #tpu.memory_space<semaphore_mem>> -> memref<!tpu.dma_semaphore, #tpu.memory_space<semaphore_mem>>
        tpu.enqueue_indirect_dma source(%dma_start3A_418 : memref<100000x64xf32, #tpu.memory_space<hbm>>) target(%dma_start3A_412 : memref<128x64xf32, #tpu.memory_space<vmem>>) offsets(%dma_start3A_415 : memref<128xi32, #tpu.memory_space<vmem>>) semaphore(%dma_start3A_420 : memref<!tpu.dma_semaphore, #tpu.memory_space<semaphore_mem>>)
      } else {
      }
      %add3A_260 = arith.constant 2 : i32
      %add3A_261 = arith.addi %mul3A_178, %add3A_260 : i32
      %dma_wait3A_262 = arith.constant 0 : i32
      %dma_wait3A_263 = arith.constant 2 : i32
      %dma_wait3A_264 = arith.constant 2 : i32
      %dma_wait3A_265 = arith.constant 0 : i32
      %dma_wait3A_266 = arith.constant 0 : i32
      %dma_wait3A_267 = tpu.memref_slice %arg6[%dma_wait3A_263, %dma_wait3A_265, %dma_wait3A_266] : memref<5x128x64xf32, #tpu.memory_space<vmem>> -> memref<1x128x64xf32, #tpu.memory_space<vmem>>
      %dma_wait3A_268 = tpu.memref_squeeze %dma_wait3A_267 : memref<1x128x64xf32, #tpu.memory_space<vmem>> -> memref<128x64xf32, #tpu.memory_space<vmem>>
      %dma_wait3A_269 = arith.constant 0 : i32
      %dma_wait3A_270 = tpu.memref_slice %arg5[%dma_wait3A_262, %dma_wait3A_269] : memref<50x128xi32, #tpu.memory_space<vmem>> -> memref<1x128xi32, #tpu.memory_space<vmem>>
      %dma_wait3A_271 = tpu.memref_squeeze %dma_wait3A_270 : memref<1x128xi32, #tpu.memory_space<vmem>> -> memref<128xi32, #tpu.memory_space<vmem>>
      %dma_wait3A_272 = arith.constant 0 : i32
      %dma_wait3A_273 = arith.constant 0 : i32
      %dma_wait3A_274 = tpu.memref_slice %arg3[%dma_wait3A_272, %dma_wait3A_273] : memref<100000x64xf32, #tpu.memory_space<hbm>> -> memref<100000x64xf32, #tpu.memory_space<hbm>>
      %dma_wait3A_275 = tpu.memref_slice %arg7[%dma_wait3A_264] : memref<5x!tpu.dma_semaphore, #tpu.memory_space<semaphore_mem>> -> memref<1x!tpu.dma_semaphore, #tpu.memory_space<semaphore_mem>>
      %dma_wait3A_276 = tpu.memref_squeeze %dma_wait3A_275 : memref<1x!tpu.dma_semaphore, #tpu.memory_space<semaphore_mem>> -> memref<!tpu.dma_semaphore, #tpu.memory_space<semaphore_mem>>
      tpu.wait_indirect_dma semaphore(%dma_wait3A_276 : memref<!tpu.dma_semaphore, #tpu.memory_space<semaphore_mem>>) src(%dma_wait3A_274 : memref<100000x64xf32, #tpu.memory_space<hbm>>) dst(%dma_wait3A_268 : memref<128x64xf32, #tpu.memory_space<vmem>>)
      %dma_start3A_277 = arith.constant 2 : i32
      %dma_start3A_278 = arith.constant 2 : i32
      %dma_start3A_279 = arith.constant 0 : i32
      %dma_start3A_280 = arith.constant 0 : i32
      %dma_start3A_281 = tpu.memref_slice %arg6[%dma_start3A_277, %dma_start3A_279, %dma_start3A_280] : memref<5x128x64xf32, #tpu.memory_space<vmem>> -> memref<1x128x64xf32, #tpu.memory_space<vmem>>
      %dma_start3A_282 = tpu.memref_squeeze %dma_start3A_281 : memref<1x128x64xf32, #tpu.memory_space<vmem>> -> memref<128x64xf32, #tpu.memory_space<vmem>>
      %dma_start3A_283 = arith.constant 0 : i32
      %dma_start3A_284 = tpu.memref_slice %arg4[%add3A_261, %mul3A_2, %dma_start3A_283] : memref<50x4096x64xf32, #tpu.memory_space<hbm>> -> memref<1x128x64xf32, #tpu.memory_space<hbm>>
      %dma_start3A_285 = tpu.memref_squeeze %dma_start3A_284 : memref<1x128x64xf32, #tpu.memory_space<hbm>> -> memref<128x64xf32, #tpu.memory_space<hbm>>
      %dma_start3A_286 = tpu.memref_slice %arg8[%dma_start3A_278] : memref<5x!tpu.dma_semaphore, #tpu.memory_space<semaphore_mem>> -> memref<1x!tpu.dma_semaphore, #tpu.memory_space<semaphore_mem>>
      %dma_start3A_287 = tpu.memref_squeeze %dma_start3A_286 : memref<1x!tpu.dma_semaphore, #tpu.memory_space<semaphore_mem>> -> memref<!tpu.dma_semaphore, #tpu.memory_space<semaphore_mem>>
      %dma_start3A_288 = arith.constant 0 : i32
      %dma_start3A_289 = tpu.memref_slice %arg4[%add3A_261, %mul3A_2, %dma_start3A_288] : memref<50x4096x64xf32, #tpu.memory_space<hbm>> -> memref<1x128x64xf32, #tpu.memory_space<hbm>>
      %dma_start3A_290 = tpu.memref_squeeze %dma_start3A_289 : memref<1x128x64xf32, #tpu.memory_space<hbm>> -> memref<128x64xf32, #tpu.memory_space<hbm>>
      %dma_start3A_291 = arith.constant 0 : i32
      %dma_start3A_292 = arith.constant 0 : i32
      %dma_start3A_293 = tpu.memref_slice %arg6[%dma_start3A_277, %dma_start3A_291, %dma_start3A_292] : memref<5x128x64xf32, #tpu.memory_space<vmem>> -> memref<1x128x64xf32, #tpu.memory_space<vmem>>
      %dma_start3A_294 = tpu.memref_squeeze %dma_start3A_293 : memref<1x128x64xf32, #tpu.memory_space<vmem>> -> memref<128x64xf32, #tpu.memory_space<vmem>>
      tpu.enqueue_dma source(%dma_start3A_294 : memref<128x64xf32, #tpu.memory_space<vmem>>) target(%dma_start3A_290 : memref<128x64xf32, #tpu.memory_space<hbm>>) target_semaphore(%dma_start3A_287 : memref<!tpu.dma_semaphore, #tpu.memory_space<semaphore_mem>>)
      %add3A_295 = arith.constant 5 : i32
      %add3A_296 = arith.addi %add3A_261, %add3A_295 : i32
      %lt3A_297 = arith.constant 50 : i32
      %lt3A_298 = arith.cmpi slt, %add3A_296, %lt3A_297 : i32
      %convert_element_type3A_299 = arith.extui %lt3A_298 : i1 to i32
      %cond3A_300 = arith.constant 0 : i32
      %cond3A_301 = arith.cmpi ne, %convert_element_type3A_299, %cond3A_300 : i32
      scf.if %cond3A_301 {
        %dma_wait3A_386 = arith.constant 2 : i32
        %dma_wait3A_387 = arith.constant 0 : i32
        %dma_wait3A_388 = arith.constant 2 : i32
        %dma_wait3A_389 = arith.constant 0 : i32
        %dma_wait3A_390 = arith.constant 0 : i32
        %dma_wait3A_391 = tpu.memref_slice %arg6[%dma_wait3A_386, %dma_wait3A_389, %dma_wait3A_390] : memref<5x128x64xf32, #tpu.memory_space<vmem>> -> memref<1x128x64xf32, #tpu.memory_space<vmem>>
        %dma_wait3A_392 = tpu.memref_squeeze %dma_wait3A_391 : memref<1x128x64xf32, #tpu.memory_space<vmem>> -> memref<128x64xf32, #tpu.memory_space<vmem>>
        %dma_wait3A_393 = arith.constant 0 : i32
        %dma_wait3A_394 = tpu.memref_slice %arg4[%dma_wait3A_387, %mul3A_2, %dma_wait3A_393] : memref<50x4096x64xf32, #tpu.memory_space<hbm>> -> memref<1x128x64xf32, #tpu.memory_space<hbm>>
        %dma_wait3A_395 = tpu.memref_squeeze %dma_wait3A_394 : memref<1x128x64xf32, #tpu.memory_space<hbm>> -> memref<128x64xf32, #tpu.memory_space<hbm>>
        %dma_wait3A_396 = tpu.memref_slice %arg8[%dma_wait3A_388] : memref<5x!tpu.dma_semaphore, #tpu.memory_space<semaphore_mem>> -> memref<1x!tpu.dma_semaphore, #tpu.memory_space<semaphore_mem>>
        %dma_wait3A_397 = tpu.memref_squeeze %dma_wait3A_396 : memref<1x!tpu.dma_semaphore, #tpu.memory_space<semaphore_mem>> -> memref<!tpu.dma_semaphore, #tpu.memory_space<semaphore_mem>>
        %dma_wait3A_398 = arith.constant 0 : i32
        %dma_wait3A_399 = tpu.memref_slice %arg4[%dma_wait3A_387, %mul3A_2, %dma_wait3A_398] : memref<50x4096x64xf32, #tpu.memory_space<hbm>> -> memref<1x128x64xf32, #tpu.memory_space<hbm>>
        %dma_wait3A_400 = tpu.memref_squeeze %dma_wait3A_399 : memref<1x128x64xf32, #tpu.memory_space<hbm>> -> memref<128x64xf32, #tpu.memory_space<hbm>>
        %dma_wait3A_401 = arith.constant 0 : i32
        %dma_wait3A_402 = arith.constant 0 : i32
        %dma_wait3A_403 = tpu.memref_slice %arg6[%dma_wait3A_386, %dma_wait3A_401, %dma_wait3A_402] : memref<5x128x64xf32, #tpu.memory_space<vmem>> -> memref<1x128x64xf32, #tpu.memory_space<vmem>>
        %dma_wait3A_404 = tpu.memref_squeeze %dma_wait3A_403 : memref<1x128x64xf32, #tpu.memory_space<vmem>> -> memref<128x64xf32, #tpu.memory_space<vmem>>
        tpu.wait_dma2 semaphore(%dma_wait3A_397 : memref<!tpu.dma_semaphore, #tpu.memory_space<semaphore_mem>>) src(%dma_wait3A_404 : memref<128x64xf32, #tpu.memory_space<vmem>>) dst(%dma_wait3A_400 : memref<128x64xf32, #tpu.memory_space<hbm>>)
        %add3A_405 = arith.constant 5 : i32
        %add3A_406 = arith.addi %add3A_261, %add3A_405 : i32
        %dma_start3A_407 = arith.constant 2 : i32
        %dma_start3A_408 = arith.constant 2 : i32
        %dma_start3A_409 = arith.constant 0 : i32
        %dma_start3A_410 = arith.constant 0 : i32
        %dma_start3A_411 = tpu.memref_slice %arg6[%dma_start3A_407, %dma_start3A_409, %dma_start3A_410] : memref<5x128x64xf32, #tpu.memory_space<vmem>> -> memref<1x128x64xf32, #tpu.memory_space<vmem>>
        %dma_start3A_412 = tpu.memref_squeeze %dma_start3A_411 : memref<1x128x64xf32, #tpu.memory_space<vmem>> -> memref<128x64xf32, #tpu.memory_space<vmem>>
        %dma_start3A_413 = arith.constant 0 : i32
        %dma_start3A_414 = tpu.memref_slice %arg5[%add3A_406, %dma_start3A_413] : memref<50x128xi32, #tpu.memory_space<vmem>> -> memref<1x128xi32, #tpu.memory_space<vmem>>
        %dma_start3A_415 = tpu.memref_squeeze %dma_start3A_414 : memref<1x128xi32, #tpu.memory_space<vmem>> -> memref<128xi32, #tpu.memory_space<vmem>>
        %dma_start3A_416 = arith.constant 0 : i32
        %dma_start3A_417 = arith.constant 0 : i32
        %dma_start3A_418 = tpu.memref_slice %arg3[%dma_start3A_416, %dma_start3A_417] : memref<100000x64xf32, #tpu.memory_space<hbm>> -> memref<100000x64xf32, #tpu.memory_space<hbm>>
        %dma_start3A_419 = tpu.memref_slice %arg7[%dma_start3A_408] : memref<5x!tpu.dma_semaphore, #tpu.memory_space<semaphore_mem>> -> memref<1x!tpu.dma_semaphore, #tpu.memory_space<semaphore_mem>>
        %dma_start3A_420 = tpu.memref_squeeze %dma_start3A_419 : memref<1x!tpu.dma_semaphore, #tpu.memory_space<semaphore_mem>> -> memref<!tpu.dma_semaphore, #tpu.memory_space<semaphore_mem>>
        tpu.enqueue_indirect_dma source(%dma_start3A_418 : memref<100000x64xf32, #tpu.memory_space<hbm>>) target(%dma_start3A_412 : memref<128x64xf32, #tpu.memory_space<vmem>>) offsets(%dma_start3A_415 : memref<128xi32, #tpu.memory_space<vmem>>) semaphore(%dma_start3A_420 : memref<!tpu.dma_semaphore, #tpu.memory_space<semaphore_mem>>)
      } else {
      }
      %add3A_302 = arith.constant 3 : i32
      %add3A_303 = arith.addi %mul3A_178, %add3A_302 : i32
      %dma_wait3A_304 = arith.constant 0 : i32
      %dma_wait3A_305 = arith.constant 3 : i32
      %dma_wait3A_306 = arith.constant 3 : i32
      %dma_wait3A_307 = arith.constant 0 : i32
      %dma_wait3A_308 = arith.constant 0 : i32
      %dma_wait3A_309 = tpu.memref_slice %arg6[%dma_wait3A_305, %dma_wait3A_307, %dma_wait3A_308] : memref<5x128x64xf32, #tpu.memory_space<vmem>> -> memref<1x128x64xf32, #tpu.memory_space<vmem>>
      %dma_wait3A_310 = tpu.memref_squeeze %dma_wait3A_309 : memref<1x128x64xf32, #tpu.memory_space<vmem>> -> memref<128x64xf32, #tpu.memory_space<vmem>>
      %dma_wait3A_311 = arith.constant 0 : i32
      %dma_wait3A_312 = tpu.memref_slice %arg5[%dma_wait3A_304, %dma_wait3A_311] : memref<50x128xi32, #tpu.memory_space<vmem>> -> memref<1x128xi32, #tpu.memory_space<vmem>>
      %dma_wait3A_313 = tpu.memref_squeeze %dma_wait3A_312 : memref<1x128xi32, #tpu.memory_space<vmem>> -> memref<128xi32, #tpu.memory_space<vmem>>
      %dma_wait3A_314 = arith.constant 0 : i32
      %dma_wait3A_315 = arith.constant 0 : i32
      %dma_wait3A_316 = tpu.memref_slice %arg3[%dma_wait3A_314, %dma_wait3A_315] : memref<100000x64xf32, #tpu.memory_space<hbm>> -> memref<100000x64xf32, #tpu.memory_space<hbm>>
      %dma_wait3A_317 = tpu.memref_slice %arg7[%dma_wait3A_306] : memref<5x!tpu.dma_semaphore, #tpu.memory_space<semaphore_mem>> -> memref<1x!tpu.dma_semaphore, #tpu.memory_space<semaphore_mem>>
      %dma_wait3A_318 = tpu.memref_squeeze %dma_wait3A_317 : memref<1x!tpu.dma_semaphore, #tpu.memory_space<semaphore_mem>> -> memref<!tpu.dma_semaphore, #tpu.memory_space<semaphore_mem>>
      tpu.wait_indirect_dma semaphore(%dma_wait3A_318 : memref<!tpu.dma_semaphore, #tpu.memory_space<semaphore_mem>>) src(%dma_wait3A_316 : memref<100000x64xf32, #tpu.memory_space<hbm>>) dst(%dma_wait3A_310 : memref<128x64xf32, #tpu.memory_space<vmem>>)
      %dma_start3A_319 = arith.constant 3 : i32
      %dma_start3A_320 = arith.constant 3 : i32
      %dma_start3A_321 = arith.constant 0 : i32
      %dma_start3A_322 = arith.constant 0 : i32
      %dma_start3A_323 = tpu.memref_slice %arg6[%dma_start3A_319, %dma_start3A_321, %dma_start3A_322] : memref<5x128x64xf32, #tpu.memory_space<vmem>> -> memref<1x128x64xf32, #tpu.memory_space<vmem>>
      %dma_start3A_324 = tpu.memref_squeeze %dma_start3A_323 : memref<1x128x64xf32, #tpu.memory_space<vmem>> -> memref<128x64xf32, #tpu.memory_space<vmem>>
      %dma_start3A_325 = arith.constant 0 : i32
      %dma_start3A_326 = tpu.memref_slice %arg4[%add3A_303, %mul3A_2, %dma_start3A_325] : memref<50x4096x64xf32, #tpu.memory_space<hbm>> -> memref<1x128x64xf32, #tpu.memory_space<hbm>>
      %dma_start3A_327 = tpu.memref_squeeze %dma_start3A_326 : memref<1x128x64xf32, #tpu.memory_space<hbm>> -> memref<128x64xf32, #tpu.memory_space<hbm>>
      %dma_start3A_328 = tpu.memref_slice %arg8[%dma_start3A_320] : memref<5x!tpu.dma_semaphore, #tpu.memory_space<semaphore_mem>> -> memref<1x!tpu.dma_semaphore, #tpu.memory_space<semaphore_mem>>
      %dma_start3A_329 = tpu.memref_squeeze %dma_start3A_328 : memref<1x!tpu.dma_semaphore, #tpu.memory_space<semaphore_mem>> -> memref<!tpu.dma_semaphore, #tpu.memory_space<semaphore_mem>>
      %dma_start3A_330 = arith.constant 0 : i32
      %dma_start3A_331 = tpu.memref_slice %arg4[%add3A_303, %mul3A_2, %dma_start3A_330] : memref<50x4096x64xf32, #tpu.memory_space<hbm>> -> memref<1x128x64xf32, #tpu.memory_space<hbm>>
      %dma_start3A_332 = tpu.memref_squeeze %dma_start3A_331 : memref<1x128x64xf32, #tpu.memory_space<hbm>> -> memref<128x64xf32, #tpu.memory_space<hbm>>
      %dma_start3A_333 = arith.constant 0 : i32
      %dma_start3A_334 = arith.constant 0 : i32
      %dma_start3A_335 = tpu.memref_slice %arg6[%dma_start3A_319, %dma_start3A_333, %dma_start3A_334] : memref<5x128x64xf32, #tpu.memory_space<vmem>> -> memref<1x128x64xf32, #tpu.memory_space<vmem>>
      %dma_start3A_336 = tpu.memref_squeeze %dma_start3A_335 : memref<1x128x64xf32, #tpu.memory_space<vmem>> -> memref<128x64xf32, #tpu.memory_space<vmem>>
      tpu.enqueue_dma source(%dma_start3A_336 : memref<128x64xf32, #tpu.memory_space<vmem>>) target(%dma_start3A_332 : memref<128x64xf32, #tpu.memory_space<hbm>>) target_semaphore(%dma_start3A_329 : memref<!tpu.dma_semaphore, #tpu.memory_space<semaphore_mem>>)
      %add3A_337 = arith.constant 5 : i32
      %add3A_338 = arith.addi %add3A_303, %add3A_337 : i32
      %lt3A_339 = arith.constant 50 : i32
      %lt3A_340 = arith.cmpi slt, %add3A_338, %lt3A_339 : i32
      %convert_element_type3A_341 = arith.extui %lt3A_340 : i1 to i32
      %cond3A_342 = arith.constant 0 : i32
      %cond3A_343 = arith.cmpi ne, %convert_element_type3A_341, %cond3A_342 : i32
      scf.if %cond3A_343 {
        %dma_wait3A_386 = arith.constant 3 : i32
        %dma_wait3A_387 = arith.constant 0 : i32
        %dma_wait3A_388 = arith.constant 3 : i32
        %dma_wait3A_389 = arith.constant 0 : i32
        %dma_wait3A_390 = arith.constant 0 : i32
        %dma_wait3A_391 = tpu.memref_slice %arg6[%dma_wait3A_386, %dma_wait3A_389, %dma_wait3A_390] : memref<5x128x64xf32, #tpu.memory_space<vmem>> -> memref<1x128x64xf32, #tpu.memory_space<vmem>>
        %dma_wait3A_392 = tpu.memref_squeeze %dma_wait3A_391 : memref<1x128x64xf32, #tpu.memory_space<vmem>> -> memref<128x64xf32, #tpu.memory_space<vmem>>
        %dma_wait3A_393 = arith.constant 0 : i32
        %dma_wait3A_394 = tpu.memref_slice %arg4[%dma_wait3A_387, %mul3A_2, %dma_wait3A_393] : memref<50x4096x64xf32, #tpu.memory_space<hbm>> -> memref<1x128x64xf32, #tpu.memory_space<hbm>>
        %dma_wait3A_395 = tpu.memref_squeeze %dma_wait3A_394 : memref<1x128x64xf32, #tpu.memory_space<hbm>> -> memref<128x64xf32, #tpu.memory_space<hbm>>
        %dma_wait3A_396 = tpu.memref_slice %arg8[%dma_wait3A_388] : memref<5x!tpu.dma_semaphore, #tpu.memory_space<semaphore_mem>> -> memref<1x!tpu.dma_semaphore, #tpu.memory_space<semaphore_mem>>
        %dma_wait3A_397 = tpu.memref_squeeze %dma_wait3A_396 : memref<1x!tpu.dma_semaphore, #tpu.memory_space<semaphore_mem>> -> memref<!tpu.dma_semaphore, #tpu.memory_space<semaphore_mem>>
        %dma_wait3A_398 = arith.constant 0 : i32
        %dma_wait3A_399 = tpu.memref_slice %arg4[%dma_wait3A_387, %mul3A_2, %dma_wait3A_398] : memref<50x4096x64xf32, #tpu.memory_space<hbm>> -> memref<1x128x64xf32, #tpu.memory_space<hbm>>
        %dma_wait3A_400 = tpu.memref_squeeze %dma_wait3A_399 : memref<1x128x64xf32, #tpu.memory_space<hbm>> -> memref<128x64xf32, #tpu.memory_space<hbm>>
        %dma_wait3A_401 = arith.constant 0 : i32
        %dma_wait3A_402 = arith.constant 0 : i32
        %dma_wait3A_403 = tpu.memref_slice %arg6[%dma_wait3A_386, %dma_wait3A_401, %dma_wait3A_402] : memref<5x128x64xf32, #tpu.memory_space<vmem>> -> memref<1x128x64xf32, #tpu.memory_space<vmem>>
        %dma_wait3A_404 = tpu.memref_squeeze %dma_wait3A_403 : memref<1x128x64xf32, #tpu.memory_space<vmem>> -> memref<128x64xf32, #tpu.memory_space<vmem>>
        tpu.wait_dma2 semaphore(%dma_wait3A_397 : memref<!tpu.dma_semaphore, #tpu.memory_space<semaphore_mem>>) src(%dma_wait3A_404 : memref<128x64xf32, #tpu.memory_space<vmem>>) dst(%dma_wait3A_400 : memref<128x64xf32, #tpu.memory_space<hbm>>)
        %add3A_405 = arith.constant 5 : i32
        %add3A_406 = arith.addi %add3A_303, %add3A_405 : i32
        %dma_start3A_407 = arith.constant 3 : i32
        %dma_start3A_408 = arith.constant 3 : i32
        %dma_start3A_409 = arith.constant 0 : i32
        %dma_start3A_410 = arith.constant 0 : i32
        %dma_start3A_411 = tpu.memref_slice %arg6[%dma_start3A_407, %dma_start3A_409, %dma_start3A_410] : memref<5x128x64xf32, #tpu.memory_space<vmem>> -> memref<1x128x64xf32, #tpu.memory_space<vmem>>
        %dma_start3A_412 = tpu.memref_squeeze %dma_start3A_411 : memref<1x128x64xf32, #tpu.memory_space<vmem>> -> memref<128x64xf32, #tpu.memory_space<vmem>>
        %dma_start3A_413 = arith.constant 0 : i32
        %dma_start3A_414 = tpu.memref_slice %arg5[%add3A_406, %dma_start3A_413] : memref<50x128xi32, #tpu.memory_space<vmem>> -> memref<1x128xi32, #tpu.memory_space<vmem>>
        %dma_start3A_415 = tpu.memref_squeeze %dma_start3A_414 : memref<1x128xi32, #tpu.memory_space<vmem>> -> memref<128xi32, #tpu.memory_space<vmem>>
        %dma_start3A_416 = arith.constant 0 : i32
        %dma_start3A_417 = arith.constant 0 : i32
        %dma_start3A_418 = tpu.memref_slice %arg3[%dma_start3A_416, %dma_start3A_417] : memref<100000x64xf32, #tpu.memory_space<hbm>> -> memref<100000x64xf32, #tpu.memory_space<hbm>>
        %dma_start3A_419 = tpu.memref_slice %arg7[%dma_start3A_408] : memref<5x!tpu.dma_semaphore, #tpu.memory_space<semaphore_mem>> -> memref<1x!tpu.dma_semaphore, #tpu.memory_space<semaphore_mem>>
        %dma_start3A_420 = tpu.memref_squeeze %dma_start3A_419 : memref<1x!tpu.dma_semaphore, #tpu.memory_space<semaphore_mem>> -> memref<!tpu.dma_semaphore, #tpu.memory_space<semaphore_mem>>
        tpu.enqueue_indirect_dma source(%dma_start3A_418 : memref<100000x64xf32, #tpu.memory_space<hbm>>) target(%dma_start3A_412 : memref<128x64xf32, #tpu.memory_space<vmem>>) offsets(%dma_start3A_415 : memref<128xi32, #tpu.memory_space<vmem>>) semaphore(%dma_start3A_420 : memref<!tpu.dma_semaphore, #tpu.memory_space<semaphore_mem>>)
      } else {
      }
      %add3A_344 = arith.constant 4 : i32
      %add3A_345 = arith.addi %mul3A_178, %add3A_344 : i32
      %dma_wait3A_346 = arith.constant 0 : i32
      %dma_wait3A_347 = arith.constant 4 : i32
      %dma_wait3A_348 = arith.constant 4 : i32
      %dma_wait3A_349 = arith.constant 0 : i32
      %dma_wait3A_350 = arith.constant 0 : i32
      %dma_wait3A_351 = tpu.memref_slice %arg6[%dma_wait3A_347, %dma_wait3A_349, %dma_wait3A_350] : memref<5x128x64xf32, #tpu.memory_space<vmem>> -> memref<1x128x64xf32, #tpu.memory_space<vmem>>
      %dma_wait3A_352 = tpu.memref_squeeze %dma_wait3A_351 : memref<1x128x64xf32, #tpu.memory_space<vmem>> -> memref<128x64xf32, #tpu.memory_space<vmem>>
      %dma_wait3A_353 = arith.constant 0 : i32
      %dma_wait3A_354 = tpu.memref_slice %arg5[%dma_wait3A_346, %dma_wait3A_353] : memref<50x128xi32, #tpu.memory_space<vmem>> -> memref<1x128xi32, #tpu.memory_space<vmem>>
      %dma_wait3A_355 = tpu.memref_squeeze %dma_wait3A_354 : memref<1x128xi32, #tpu.memory_space<vmem>> -> memref<128xi32, #tpu.memory_space<vmem>>
      %dma_wait3A_356 = arith.constant 0 : i32
      %dma_wait3A_357 = arith.constant 0 : i32
      %dma_wait3A_358 = tpu.memref_slice %arg3[%dma_wait3A_356, %dma_wait3A_357] : memref<100000x64xf32, #tpu.memory_space<hbm>> -> memref<100000x64xf32, #tpu.memory_space<hbm>>
      %dma_wait3A_359 = tpu.memref_slice %arg7[%dma_wait3A_348] : memref<5x!tpu.dma_semaphore, #tpu.memory_space<semaphore_mem>> -> memref<1x!tpu.dma_semaphore, #tpu.memory_space<semaphore_mem>>
      %dma_wait3A_360 = tpu.memref_squeeze %dma_wait3A_359 : memref<1x!tpu.dma_semaphore, #tpu.memory_space<semaphore_mem>> -> memref<!tpu.dma_semaphore, #tpu.memory_space<semaphore_mem>>
      tpu.wait_indirect_dma semaphore(%dma_wait3A_360 : memref<!tpu.dma_semaphore, #tpu.memory_space<semaphore_mem>>) src(%dma_wait3A_358 : memref<100000x64xf32, #tpu.memory_space<hbm>>) dst(%dma_wait3A_352 : memref<128x64xf32, #tpu.memory_space<vmem>>)
      %dma_start3A_361 = arith.constant 4 : i32
      %dma_start3A_362 = arith.constant 4 : i32
      %dma_start3A_363 = arith.constant 0 : i32
      %dma_start3A_364 = arith.constant 0 : i32
      %dma_start3A_365 = tpu.memref_slice %arg6[%dma_start3A_361, %dma_start3A_363, %dma_start3A_364] : memref<5x128x64xf32, #tpu.memory_space<vmem>> -> memref<1x128x64xf32, #tpu.memory_space<vmem>>
      %dma_start3A_366 = tpu.memref_squeeze %dma_start3A_365 : memref<1x128x64xf32, #tpu.memory_space<vmem>> -> memref<128x64xf32, #tpu.memory_space<vmem>>
      %dma_start3A_367 = arith.constant 0 : i32
      %dma_start3A_368 = tpu.memref_slice %arg4[%add3A_345, %mul3A_2, %dma_start3A_367] : memref<50x4096x64xf32, #tpu.memory_space<hbm>> -> memref<1x128x64xf32, #tpu.memory_space<hbm>>
      %dma_start3A_369 = tpu.memref_squeeze %dma_start3A_368 : memref<1x128x64xf32, #tpu.memory_space<hbm>> -> memref<128x64xf32, #tpu.memory_space<hbm>>
      %dma_start3A_370 = tpu.memref_slice %arg8[%dma_start3A_362] : memref<5x!tpu.dma_semaphore, #tpu.memory_space<semaphore_mem>> -> memref<1x!tpu.dma_semaphore, #tpu.memory_space<semaphore_mem>>
      %dma_start3A_371 = tpu.memref_squeeze %dma_start3A_370 : memref<1x!tpu.dma_semaphore, #tpu.memory_space<semaphore_mem>> -> memref<!tpu.dma_semaphore, #tpu.memory_space<semaphore_mem>>
      %dma_start3A_372 = arith.constant 0 : i32
      %dma_start3A_373 = tpu.memref_slice %arg4[%add3A_345, %mul3A_2, %dma_start3A_372] : memref<50x4096x64xf32, #tpu.memory_space<hbm>> -> memref<1x128x64xf32, #tpu.memory_space<hbm>>
      %dma_start3A_374 = tpu.memref_squeeze %dma_start3A_373 : memref<1x128x64xf32, #tpu.memory_space<hbm>> -> memref<128x64xf32, #tpu.memory_space<hbm>>
      %dma_start3A_375 = arith.constant 0 : i32
      %dma_start3A_376 = arith.constant 0 : i32
      %dma_start3A_377 = tpu.memref_slice %arg6[%dma_start3A_361, %dma_start3A_375, %dma_start3A_376] : memref<5x128x64xf32, #tpu.memory_space<vmem>> -> memref<1x128x64xf32, #tpu.memory_space<vmem>>
      %dma_start3A_378 = tpu.memref_squeeze %dma_start3A_377 : memref<1x128x64xf32, #tpu.memory_space<vmem>> -> memref<128x64xf32, #tpu.memory_space<vmem>>
      tpu.enqueue_dma source(%dma_start3A_378 : memref<128x64xf32, #tpu.memory_space<vmem>>) target(%dma_start3A_374 : memref<128x64xf32, #tpu.memory_space<hbm>>) target_semaphore(%dma_start3A_371 : memref<!tpu.dma_semaphore, #tpu.memory_space<semaphore_mem>>)
      %add3A_379 = arith.constant 5 : i32
      %add3A_380 = arith.addi %add3A_345, %add3A_379 : i32
      %lt3A_381 = arith.constant 50 : i32
      %lt3A_382 = arith.cmpi slt, %add3A_380, %lt3A_381 : i32
      %convert_element_type3A_383 = arith.extui %lt3A_382 : i1 to i32
      %cond3A_384 = arith.constant 0 : i32
      %cond3A_385 = arith.cmpi ne, %convert_element_type3A_383, %cond3A_384 : i32
      scf.if %cond3A_385 {
        %dma_wait3A_386 = arith.constant 4 : i32
        %dma_wait3A_387 = arith.constant 0 : i32
        %dma_wait3A_388 = arith.constant 4 : i32
        %dma_wait3A_389 = arith.constant 0 : i32
        %dma_wait3A_390 = arith.constant 0 : i32
        %dma_wait3A_391 = tpu.memref_slice %arg6[%dma_wait3A_386, %dma_wait3A_389, %dma_wait3A_390] : memref<5x128x64xf32, #tpu.memory_space<vmem>> -> memref<1x128x64xf32, #tpu.memory_space<vmem>>
        %dma_wait3A_392 = tpu.memref_squeeze %dma_wait3A_391 : memref<1x128x64xf32, #tpu.memory_space<vmem>> -> memref<128x64xf32, #tpu.memory_space<vmem>>
        %dma_wait3A_393 = arith.constant 0 : i32
        %dma_wait3A_394 = tpu.memref_slice %arg4[%dma_wait3A_387, %mul3A_2, %dma_wait3A_393] : memref<50x4096x64xf32, #tpu.memory_space<hbm>> -> memref<1x128x64xf32, #tpu.memory_space<hbm>>
        %dma_wait3A_395 = tpu.memref_squeeze %dma_wait3A_394 : memref<1x128x64xf32, #tpu.memory_space<hbm>> -> memref<128x64xf32, #tpu.memory_space<hbm>>
        %dma_wait3A_396 = tpu.memref_slice %arg8[%dma_wait3A_388] : memref<5x!tpu.dma_semaphore, #tpu.memory_space<semaphore_mem>> -> memref<1x!tpu.dma_semaphore, #tpu.memory_space<semaphore_mem>>
        %dma_wait3A_397 = tpu.memref_squeeze %dma_wait3A_396 : memref<1x!tpu.dma_semaphore, #tpu.memory_space<semaphore_mem>> -> memref<!tpu.dma_semaphore, #tpu.memory_space<semaphore_mem>>
        %dma_wait3A_398 = arith.constant 0 : i32
        %dma_wait3A_399 = tpu.memref_slice %arg4[%dma_wait3A_387, %mul3A_2, %dma_wait3A_398] : memref<50x4096x64xf32, #tpu.memory_space<hbm>> -> memref<1x128x64xf32, #tpu.memory_space<hbm>>
        %dma_wait3A_400 = tpu.memref_squeeze %dma_wait3A_399 : memref<1x128x64xf32, #tpu.memory_space<hbm>> -> memref<128x64xf32, #tpu.memory_space<hbm>>
        %dma_wait3A_401 = arith.constant 0 : i32
        %dma_wait3A_402 = arith.constant 0 : i32
        %dma_wait3A_403 = tpu.memref_slice %arg6[%dma_wait3A_386, %dma_wait3A_401, %dma_wait3A_402] : memref<5x128x64xf32, #tpu.memory_space<vmem>> -> memref<1x128x64xf32, #tpu.memory_space<vmem>>
        %dma_wait3A_404 = tpu.memref_squeeze %dma_wait3A_403 : memref<1x128x64xf32, #tpu.memory_space<vmem>> -> memref<128x64xf32, #tpu.memory_space<vmem>>
        tpu.wait_dma2 semaphore(%dma_wait3A_397 : memref<!tpu.dma_semaphore, #tpu.memory_space<semaphore_mem>>) src(%dma_wait3A_404 : memref<128x64xf32, #tpu.memory_space<vmem>>) dst(%dma_wait3A_400 : memref<128x64xf32, #tpu.memory_space<hbm>>)
        %add3A_405 = arith.constant 5 : i32
        %add3A_406 = arith.addi %add3A_345, %add3A_405 : i32
        %dma_start3A_407 = arith.constant 4 : i32
        %dma_start3A_408 = arith.constant 4 : i32
        %dma_start3A_409 = arith.constant 0 : i32
        %dma_start3A_410 = arith.constant 0 : i32
        %dma_start3A_411 = tpu.memref_slice %arg6[%dma_start3A_407, %dma_start3A_409, %dma_start3A_410] : memref<5x128x64xf32, #tpu.memory_space<vmem>> -> memref<1x128x64xf32, #tpu.memory_space<vmem>>
        %dma_start3A_412 = tpu.memref_squeeze %dma_start3A_411 : memref<1x128x64xf32, #tpu.memory_space<vmem>> -> memref<128x64xf32, #tpu.memory_space<vmem>>
        %dma_start3A_413 = arith.constant 0 : i32
        %dma_start3A_414 = tpu.memref_slice %arg5[%add3A_406, %dma_start3A_413] : memref<50x128xi32, #tpu.memory_space<vmem>> -> memref<1x128xi32, #tpu.memory_space<vmem>>
        %dma_start3A_415 = tpu.memref_squeeze %dma_start3A_414 : memref<1x128xi32, #tpu.memory_space<vmem>> -> memref<128xi32, #tpu.memory_space<vmem>>
        %dma_start3A_416 = arith.constant 0 : i32
        %dma_start3A_417 = arith.constant 0 : i32
        %dma_start3A_418 = tpu.memref_slice %arg3[%dma_start3A_416, %dma_start3A_417] : memref<100000x64xf32, #tpu.memory_space<hbm>> -> memref<100000x64xf32, #tpu.memory_space<hbm>>
        %dma_start3A_419 = tpu.memref_slice %arg7[%dma_start3A_408] : memref<5x!tpu.dma_semaphore, #tpu.memory_space<semaphore_mem>> -> memref<1x!tpu.dma_semaphore, #tpu.memory_space<semaphore_mem>>
        %dma_start3A_420 = tpu.memref_squeeze %dma_start3A_419 : memref<1x!tpu.dma_semaphore, #tpu.memory_space<semaphore_mem>> -> memref<!tpu.dma_semaphore, #tpu.memory_space<semaphore_mem>>
        tpu.enqueue_indirect_dma source(%dma_start3A_418 : memref<100000x64xf32, #tpu.memory_space<hbm>>) target(%dma_start3A_412 : memref<128x64xf32, #tpu.memory_space<vmem>>) offsets(%dma_start3A_415 : memref<128xi32, #tpu.memory_space<vmem>>) semaphore(%dma_start3A_420 : memref<!tpu.dma_semaphore, #tpu.memory_space<semaphore_mem>>)
      } else {
      }
    }
    %scan3A_81 = arith.constant 10 : i32
    %dma_wait3A = arith.constant 0 : i32
    %dma_wait3A_82 = arith.constant 0 : i32
    %dma_wait3A_83 = arith.constant 0 : i32
    %dma_wait3A_84 = arith.constant 0 : i32
    %dma_wait3A_85 = arith.constant 0 : i32
    %dma_wait3A_86 = tpu.memref_slice %arg6[%dma_wait3A, %dma_wait3A_84, %dma_wait3A_85] : memref<5x128x64xf32, #tpu.memory_space<vmem>> -> memref<1x128x64xf32, #tpu.memory_space<vmem>>
    %dma_wait3A_87 = tpu.memref_squeeze %dma_wait3A_86 : memref<1x128x64xf32, #tpu.memory_space<vmem>> -> memref<128x64xf32, #tpu.memory_space<vmem>>
    %dma_wait3A_88 = arith.constant 0 : i32
    %dma_wait3A_89 = tpu.memref_slice %arg4[%dma_wait3A_82, %mul3A_2, %dma_wait3A_88] : memref<50x4096x64xf32, #tpu.memory_space<hbm>> -> memref<1x128x64xf32, #tpu.memory_space<hbm>>
    %dma_wait3A_90 = tpu.memref_squeeze %dma_wait3A_89 : memref<1x128x64xf32, #tpu.memory_space<hbm>> -> memref<128x64xf32, #tpu.memory_space<hbm>>
    %dma_wait3A_91 = tpu.memref_slice %arg8[%dma_wait3A_83] : memref<5x!tpu.dma_semaphore, #tpu.memory_space<semaphore_mem>> -> memref<1x!tpu.dma_semaphore, #tpu.memory_space<semaphore_mem>>
    %dma_wait3A_92 = tpu.memref_squeeze %dma_wait3A_91 : memref<1x!tpu.dma_semaphore, #tpu.memory_space<semaphore_mem>> -> memref<!tpu.dma_semaphore, #tpu.memory_space<semaphore_mem>>
    %dma_wait3A_93 = arith.constant 0 : i32
    %dma_wait3A_94 = tpu.memref_slice %arg4[%dma_wait3A_82, %mul3A_2, %dma_wait3A_93] : memref<50x4096x64xf32, #tpu.memory_space<hbm>> -> memref<1x128x64xf32, #tpu.memory_space<hbm>>
    %dma_wait3A_95 = tpu.memref_squeeze %dma_wait3A_94 : memref<1x128x64xf32, #tpu.memory_space<hbm>> -> memref<128x64xf32, #tpu.memory_space<hbm>>
    %dma_wait3A_96 = arith.constant 0 : i32
    %dma_wait3A_97 = arith.constant 0 : i32
    %dma_wait3A_98 = tpu.memref_slice %arg6[%dma_wait3A, %dma_wait3A_96, %dma_wait3A_97] : memref<5x128x64xf32, #tpu.memory_space<vmem>> -> memref<1x128x64xf32, #tpu.memory_space<vmem>>
    %dma_wait3A_99 = tpu.memref_squeeze %dma_wait3A_98 : memref<1x128x64xf32, #tpu.memory_space<vmem>> -> memref<128x64xf32, #tpu.memory_space<vmem>>
    tpu.wait_dma2 semaphore(%dma_wait3A_92 : memref<!tpu.dma_semaphore, #tpu.memory_space<semaphore_mem>>) src(%dma_wait3A_99 : memref<128x64xf32, #tpu.memory_space<vmem>>) dst(%dma_wait3A_95 : memref<128x64xf32, #tpu.memory_space<hbm>>)
    %dma_wait3A_100 = arith.constant 1 : i32
    %dma_wait3A_101 = arith.constant 0 : i32
    %dma_wait3A_102 = arith.constant 1 : i32
    %dma_wait3A_103 = arith.constant 0 : i32
    %dma_wait3A_104 = arith.constant 0 : i32
    %dma_wait3A_105 = tpu.memref_slice %arg6[%dma_wait3A_100, %dma_wait3A_103, %dma_wait3A_104] : memref<5x128x64xf32, #tpu.memory_space<vmem>> -> memref<1x128x64xf32, #tpu.memory_space<vmem>>
    %dma_wait3A_106 = tpu.memref_squeeze %dma_wait3A_105 : memref<1x128x64xf32, #tpu.memory_space<vmem>> -> memref<128x64xf32, #tpu.memory_space<vmem>>
    %dma_wait3A_107 = arith.constant 0 : i32
    %dma_wait3A_108 = tpu.memref_slice %arg4[%dma_wait3A_101, %mul3A_2, %dma_wait3A_107] : memref<50x4096x64xf32, #tpu.memory_space<hbm>> -> memref<1x128x64xf32, #tpu.memory_space<hbm>>
    %dma_wait3A_109 = tpu.memref_squeeze %dma_wait3A_108 : memref<1x128x64xf32, #tpu.memory_space<hbm>> -> memref<128x64xf32, #tpu.memory_space<hbm>>
    %dma_wait3A_110 = tpu.memref_slice %arg8[%dma_wait3A_102] : memref<5x!tpu.dma_semaphore, #tpu.memory_space<semaphore_mem>> -> memref<1x!tpu.dma_semaphore, #tpu.memory_space<semaphore_mem>>
    %dma_wait3A_111 = tpu.memref_squeeze %dma_wait3A_110 : memref<1x!tpu.dma_semaphore, #tpu.memory_space<semaphore_mem>> -> memref<!tpu.dma_semaphore, #tpu.memory_space<semaphore_mem>>
    %dma_wait3A_112 = arith.constant 0 : i32
    %dma_wait3A_113 = tpu.memref_slice %arg4[%dma_wait3A_101, %mul3A_2, %dma_wait3A_112] : memref<50x4096x64xf32, #tpu.memory_space<hbm>> -> memref<1x128x64xf32, #tpu.memory_space<hbm>>
    %dma_wait3A_114 = tpu.memref_squeeze %dma_wait3A_113 : memref<1x128x64xf32, #tpu.memory_space<hbm>> -> memref<128x64xf32, #tpu.memory_space<hbm>>
    %dma_wait3A_115 = arith.constant 0 : i32
    %dma_wait3A_116 = arith.constant 0 : i32
    %dma_wait3A_117 = tpu.memref_slice %arg6[%dma_wait3A_100, %dma_wait3A_115, %dma_wait3A_116] : memref<5x128x64xf32, #tpu.memory_space<vmem>> -> memref<1x128x64xf32, #tpu.memory_space<vmem>>
    %dma_wait3A_118 = tpu.memref_squeeze %dma_wait3A_117 : memref<1x128x64xf32, #tpu.memory_space<vmem>> -> memref<128x64xf32, #tpu.memory_space<vmem>>
    tpu.wait_dma2 semaphore(%dma_wait3A_111 : memref<!tpu.dma_semaphore, #tpu.memory_space<semaphore_mem>>) src(%dma_wait3A_118 : memref<128x64xf32, #tpu.memory_space<vmem>>) dst(%dma_wait3A_114 : memref<128x64xf32, #tpu.memory_space<hbm>>)
    %dma_wait3A_119 = arith.constant 2 : i32
    %dma_wait3A_120 = arith.constant 0 : i32
    %dma_wait3A_121 = arith.constant 2 : i32
    %dma_wait3A_122 = arith.constant 0 : i32
    %dma_wait3A_123 = arith.constant 0 : i32
    %dma_wait3A_124 = tpu.memref_slice %arg6[%dma_wait3A_119, %dma_wait3A_122, %dma_wait3A_123] : memref<5x128x64xf32, #tpu.memory_space<vmem>> -> memref<1x128x64xf32, #tpu.memory_space<vmem>>
    %dma_wait3A_125 = tpu.memref_squeeze %dma_wait3A_124 : memref<1x128x64xf32, #tpu.memory_space<vmem>> -> memref<128x64xf32, #tpu.memory_space<vmem>>
    %dma_wait3A_126 = arith.constant 0 : i32
    %dma_wait3A_127 = tpu.memref_slice %arg4[%dma_wait3A_120, %mul3A_2, %dma_wait3A_126] : memref<50x4096x64xf32, #tpu.memory_space<hbm>> -> memref<1x128x64xf32, #tpu.memory_space<hbm>>
    %dma_wait3A_128 = tpu.memref_squeeze %dma_wait3A_127 : memref<1x128x64xf32, #tpu.memory_space<hbm>> -> memref<128x64xf32, #tpu.memory_space<hbm>>
    %dma_wait3A_129 = tpu.memref_slice %arg8[%dma_wait3A_121] : memref<5x!tpu.dma_semaphore, #tpu.memory_space<semaphore_mem>> -> memref<1x!tpu.dma_semaphore, #tpu.memory_space<semaphore_mem>>
    %dma_wait3A_130 = tpu.memref_squeeze %dma_wait3A_129 : memref<1x!tpu.dma_semaphore, #tpu.memory_space<semaphore_mem>> -> memref<!tpu.dma_semaphore, #tpu.memory_space<semaphore_mem>>
    %dma_wait3A_131 = arith.constant 0 : i32
    %dma_wait3A_132 = tpu.memref_slice %arg4[%dma_wait3A_120, %mul3A_2, %dma_wait3A_131] : memref<50x4096x64xf32, #tpu.memory_space<hbm>> -> memref<1x128x64xf32, #tpu.memory_space<hbm>>
    %dma_wait3A_133 = tpu.memref_squeeze %dma_wait3A_132 : memref<1x128x64xf32, #tpu.memory_space<hbm>> -> memref<128x64xf32, #tpu.memory_space<hbm>>
    %dma_wait3A_134 = arith.constant 0 : i32
    %dma_wait3A_135 = arith.constant 0 : i32
    %dma_wait3A_136 = tpu.memref_slice %arg6[%dma_wait3A_119, %dma_wait3A_134, %dma_wait3A_135] : memref<5x128x64xf32, #tpu.memory_space<vmem>> -> memref<1x128x64xf32, #tpu.memory_space<vmem>>
    %dma_wait3A_137 = tpu.memref_squeeze %dma_wait3A_136 : memref<1x128x64xf32, #tpu.memory_space<vmem>> -> memref<128x64xf32, #tpu.memory_space<vmem>>
    tpu.wait_dma2 semaphore(%dma_wait3A_130 : memref<!tpu.dma_semaphore, #tpu.memory_space<semaphore_mem>>) src(%dma_wait3A_137 : memref<128x64xf32, #tpu.memory_space<vmem>>) dst(%dma_wait3A_133 : memref<128x64xf32, #tpu.memory_space<hbm>>)
    %dma_wait3A_138 = arith.constant 3 : i32
    %dma_wait3A_139 = arith.constant 0 : i32
    %dma_wait3A_140 = arith.constant 3 : i32
    %dma_wait3A_141 = arith.constant 0 : i32
    %dma_wait3A_142 = arith.constant 0 : i32
    %dma_wait3A_143 = tpu.memref_slice %arg6[%dma_wait3A_138, %dma_wait3A_141, %dma_wait3A_142] : memref<5x128x64xf32, #tpu.memory_space<vmem>> -> memref<1x128x64xf32, #tpu.memory_space<vmem>>
    %dma_wait3A_144 = tpu.memref_squeeze %dma_wait3A_143 : memref<1x128x64xf32, #tpu.memory_space<vmem>> -> memref<128x64xf32, #tpu.memory_space<vmem>>
    %dma_wait3A_145 = arith.constant 0 : i32
    %dma_wait3A_146 = tpu.memref_slice %arg4[%dma_wait3A_139, %mul3A_2, %dma_wait3A_145] : memref<50x4096x64xf32, #tpu.memory_space<hbm>> -> memref<1x128x64xf32, #tpu.memory_space<hbm>>
    %dma_wait3A_147 = tpu.memref_squeeze %dma_wait3A_146 : memref<1x128x64xf32, #tpu.memory_space<hbm>> -> memref<128x64xf32, #tpu.memory_space<hbm>>
    %dma_wait3A_148 = tpu.memref_slice %arg8[%dma_wait3A_140] : memref<5x!tpu.dma_semaphore, #tpu.memory_space<semaphore_mem>> -> memref<1x!tpu.dma_semaphore, #tpu.memory_space<semaphore_mem>>
    %dma_wait3A_149 = tpu.memref_squeeze %dma_wait3A_148 : memref<1x!tpu.dma_semaphore, #tpu.memory_space<semaphore_mem>> -> memref<!tpu.dma_semaphore, #tpu.memory_space<semaphore_mem>>
    %dma_wait3A_150 = arith.constant 0 : i32
    %dma_wait3A_151 = tpu.memref_slice %arg4[%dma_wait3A_139, %mul3A_2, %dma_wait3A_150] : memref<50x4096x64xf32, #tpu.memory_space<hbm>> -> memref<1x128x64xf32, #tpu.memory_space<hbm>>
    %dma_wait3A_152 = tpu.memref_squeeze %dma_wait3A_151 : memref<1x128x64xf32, #tpu.memory_space<hbm>> -> memref<128x64xf32, #tpu.memory_space<hbm>>
    %dma_wait3A_153 = arith.constant 0 : i32
    %dma_wait3A_154 = arith.constant 0 : i32
    %dma_wait3A_155 = tpu.memref_slice %arg6[%dma_wait3A_138, %dma_wait3A_153, %dma_wait3A_154] : memref<5x128x64xf32, #tpu.memory_space<vmem>> -> memref<1x128x64xf32, #tpu.memory_space<vmem>>
    %dma_wait3A_156 = tpu.memref_squeeze %dma_wait3A_155 : memref<1x128x64xf32, #tpu.memory_space<vmem>> -> memref<128x64xf32, #tpu.memory_space<vmem>>
    tpu.wait_dma2 semaphore(%dma_wait3A_149 : memref<!tpu.dma_semaphore, #tpu.memory_space<semaphore_mem>>) src(%dma_wait3A_156 : memref<128x64xf32, #tpu.memory_space<vmem>>) dst(%dma_wait3A_152 : memref<128x64xf32, #tpu.memory_space<hbm>>)
    %dma_wait3A_157 = arith.constant 4 : i32
    %dma_wait3A_158 = arith.constant 0 : i32
    %dma_wait3A_159 = arith.constant 4 : i32
    %dma_wait3A_160 = arith.constant 0 : i32
    %dma_wait3A_161 = arith.constant 0 : i32
    %dma_wait3A_162 = tpu.memref_slice %arg6[%dma_wait3A_157, %dma_wait3A_160, %dma_wait3A_161] : memref<5x128x64xf32, #tpu.memory_space<vmem>> -> memref<1x128x64xf32, #tpu.memory_space<vmem>>
    %dma_wait3A_163 = tpu.memref_squeeze %dma_wait3A_162 : memref<1x128x64xf32, #tpu.memory_space<vmem>> -> memref<128x64xf32, #tpu.memory_space<vmem>>
    %dma_wait3A_164 = arith.constant 0 : i32
    %dma_wait3A_165 = tpu.memref_slice %arg4[%dma_wait3A_158, %mul3A_2, %dma_wait3A_164] : memref<50x4096x64xf32, #tpu.memory_space<hbm>> -> memref<1x128x64xf32, #tpu.memory_space<hbm>>
    %dma_wait3A_166 = tpu.memref_squeeze %dma_wait3A_165 : memref<1x128x64xf32, #tpu.memory_space<hbm>> -> memref<128x64xf32, #tpu.memory_space<hbm>>
    %dma_wait3A_167 = tpu.memref_slice %arg8[%dma_wait3A_159] : memref<5x!tpu.dma_semaphore, #tpu.memory_space<semaphore_mem>> -> memref<1x!tpu.dma_semaphore, #tpu.memory_space<semaphore_mem>>
    %dma_wait3A_168 = tpu.memref_squeeze %dma_wait3A_167 : memref<1x!tpu.dma_semaphore, #tpu.memory_space<semaphore_mem>> -> memref<!tpu.dma_semaphore, #tpu.memory_space<semaphore_mem>>
    %dma_wait3A_169 = arith.constant 0 : i32
    %dma_wait3A_170 = tpu.memref_slice %arg4[%dma_wait3A_158, %mul3A_2, %dma_wait3A_169] : memref<50x4096x64xf32, #tpu.memory_space<hbm>> -> memref<1x128x64xf32, #tpu.memory_space<hbm>>
    %dma_wait3A_171 = tpu.memref_squeeze %dma_wait3A_170 : memref<1x128x64xf32, #tpu.memory_space<hbm>> -> memref<128x64xf32, #tpu.memory_space<hbm>>
    %dma_wait3A_172 = arith.constant 0 : i32
    %dma_wait3A_173 = arith.constant 0 : i32
    %dma_wait3A_174 = tpu.memref_slice %arg6[%dma_wait3A_157, %dma_wait3A_172, %dma_wait3A_173] : memref<5x128x64xf32, #tpu.memory_space<vmem>> -> memref<1x128x64xf32, #tpu.memory_space<vmem>>
    %dma_wait3A_175 = tpu.memref_squeeze %dma_wait3A_174 : memref<1x128x64xf32, #tpu.memory_space<vmem>> -> memref<128x64xf32, #tpu.memory_space<vmem>>
    tpu.wait_dma2 semaphore(%dma_wait3A_168 : memref<!tpu.dma_semaphore, #tpu.memory_space<semaphore_mem>>) src(%dma_wait3A_175 : memref<128x64xf32, #tpu.memory_space<vmem>>) dst(%dma_wait3A_171 : memref<128x64xf32, #tpu.memory_space<hbm>>)
    return
  }
}

module attributes {stable_mosaic.version = 14 : i64} {
  func.func @_tc_transpose_body(%arg0: i32, %arg1: i32, %arg2: memref<1x64x128xf32, #tpu.memory_space<vmem>>, %arg3: memref<1x64x128xf32, #tpu.memory_space<vmem>>) attributes {dimension_semantics = [#tpu.dimension_semantics<arbitrary>, #tpu.dimension_semantics<arbitrary>], iteration_bounds = array<i64: 50, 32>, scalar_prefetch = 0 : i64, scratch_operands = 0 : i64, tpu.core_type = #tpu.core_type<tc>, window_params = [{transform_indices = @transform_0, window_bounds = array<i64: 1, 64, 128>}, {transform_indices = @transform_1, window_bounds = array<i64: 1, 64, 128>}]} {
    %get3A = arith.constant 0 : index
    %get3A_0 = arith.constant 0 : index
    %get3A_1 = arith.constant 0 : index
    %get3A_2 = vector.load %arg2[%get3A, %get3A_0, %get3A_1] : memref<1x64x128xf32, #tpu.memory_space<vmem>>, vector<1x64x128xf32>
    %get3A_3 = vector.shape_cast %get3A_2 : vector<1x64x128xf32> to vector<64x128xf32>
    %slice3A = vector.extract_strided_slice %get3A_3 {offsets = [0, 0], sizes = [64, 64], strides = [1, 1]} : vector<64x128xf32> to vector<64x64xf32>
    %transpose3A = tpu.transpose %slice3A, [1, 0] : vector<64x64xf32> -> vector<64x64xf32>
    %slice3A_4 = vector.extract_strided_slice %get3A_3 {offsets = [0, 64], sizes = [64, 64], strides = [1, 1]} : vector<64x128xf32> to vector<64x64xf32>
    %transpose3A_5 = tpu.transpose %slice3A_4, [1, 0] : vector<64x64xf32> -> vector<64x64xf32>
    %concatenate3A = tpu.concatenate %transpose3A, %transpose3A_5 in 1 : vector<64x64xf32>, vector<64x64xf32> -> vector<64x128xf32>
    %swap3A = arith.constant 0 : index
    %swap3A_6 = arith.constant 0 : index
    %swap3A_7 = arith.constant 0 : index
    %swap3A_8 = vector.load %arg3[%swap3A, %swap3A_6, %swap3A_7] : memref<1x64x128xf32, #tpu.memory_space<vmem>>, vector<1x64x128xf32>
    %swap3A_9 = vector.shape_cast %swap3A_8 : vector<1x64x128xf32> to vector<64x128xf32>
    %swap3A_10 = vector.shape_cast %concatenate3A : vector<64x128xf32> to vector<1x64x128xf32>
    tpu.vector_store %arg3[%swap3A, %swap3A_6, %swap3A_7], %swap3A_10 {strides = array<i32>} : memref<1x64x128xf32, #tpu.memory_space<vmem>>, vector<1x64x128xf32>,
    return
  }
  func.func @transform_0(%arg0: i32, %arg1: i32) -> (i32, i32, i32) {
    %c0_i32 = arith.constant 0 : i32
    %c0_i32_0 = arith.constant 0 : i32
    return %arg0, %arg1, %c0_i32 : i32, i32, i32
  }
  func.func @transform_1(%arg0: i32, %arg1: i32) -> (i32, i32, i32) {
    %c0_i32 = arith.constant 0 : i32
    %c0_i32_0 = arith.constant 0 : i32
    return %arg0, %c0_i32, %arg1 : i32, i32, i32
  }
}

</mosaic_0001>

<sc_bundles>
// kernel: kernel.4.cloned.1.call-start
scs
__scs_entry_jumppad:
0x0: {  	(pc) =	sbr.rel $0x88, $3  }
0x1: {  	(tag) =	ssettag $0x0;
	lr =	simm.s32 $0x1  }
0x2: {  	[smem:$0x3F9F] =	sst lr;
	_ =	strace $0xD0000000  }
0x3: {  	_ = 	snop  }
0x4: {  	_ = 	snop  }
0x5: {  	_ = 	snop  }
0x6: {  	_ = 	snop  }
0x7: {  	_ = 	snop  }
__scs_overlays_trampoline_lowered:
0x8: {  	[smem:$0x3FAE] =	sst s0  }
0x9: {  	[smem:$0x3FAF] =	sst s1  }
0xa: {  	[smem:$0x3FB0] =	sst s2  }
0xb: {  	[smem:$0x3FB1] =	sst s3  }
0xc: {  	[smem:$0x3FB2] =	sst s4  }
0xd: {  	[smem:$0x3FB3] =	sst s5  }
0xe: {  	[smem:$0x3FB4] =	sst s6  }
0xf: {  	[smem:$0x3FB5] =	sst s7  }
0x10: {  	[smem:$0x3FB6] =	sst s8  }
0x11: {  	[smem:$0x3FB7] =	sst s9;
	s0 =	simm.s32 @!p0 $0x0  }
0x12: {  	s1 =	sld [smem:$0x3F9D];
	s0 =	simm.s32 @p0 $0x1  }
0x13: {  	[smem:$0x3FB8] =	sst s0;
	s0 =	simm.s32 @!p1 $0x0  }
0x14: {  	s2 =	sld [smem:$0x3F9C];
	s0 =	simm.s32 @p1 $0x1  }
0x15: {  	[smem:$0x3FB9] =	sst s0;
	s0 =	simm.s32 @!p2 $0x0  }
0x16: {  	s3 =	sld [smem:$0x3FDB];
	s0 =	simm.s32 @p2 $0x1  }
0x17: {  	s4 =	simm.s32 $0x1BF5;
	[smem:$0x3FBB] =	sst s0  }
0x18: {  	s0 =	sld [smem:$0x3F9E];
	_ =	swait.ge [sflag:s4], $0x0  }
0x19: {  	s7 =	sld [smem:$0x3F9F]  }
0x1a: {  	s8 =	sadd.s32 $0xFFFFE003, lr  }
0x1b: {  	s9 =	sadd.s32 $0xFFFFFEF7, lr;
	s5 =	simm.s32 $0xFFFFFFFF;
	p2 =	slt.u32 s8, $0xFFFFF086  }
0x1c: {  	p1 =	slt.u32 s9, $0xF7A;
	s5 =	simm.s32 @!p2 $0x0  }
0x1d: {  	s5 =	simm.s32 @p1 $0x1;
	p0 =	seq.s32 s7, s2  }
0x1e: {  	s7 =	smul.u32 @!p0 $0xF7A, s2;
	p2 =	seq.s32 @!p0 s5, $0x0  }
0x1f: {  	s9 =	smul.u32 $0xF7A, s1;
	s8 =	simm.s32 @!p0 $0x1BF5;
	p2 =	por !p2, p0  }
0x20: {  	[sflag:s8] =	ssyncset.s32 @!p0 $0xFFFFF086;
	s6 =	sadd.s32 @!p0 s3, s7;
	s7 =	simm.s32 @!p0 $0x108  }
0x21: {  	s3 =	sadd.s32 s3, s9;
	s6 =	sadd.s32 @!p0 $0x88, s6;
	s7 =	simm.s32 @p2 $0x1082  }
0x22: {  	[simem:s7], [sflag:s8] =	dma.local @!p0 [hbm:s6], $0xF7A  }
0x23: {  	s9 =	sor.u32 $0xD0000000, s2;
	s6 =	simm.s32 $0x108;
	_ =	swait.ge @!p0 [sflag:s8], $0x0  }
0x24: {  	s3 =	sadd.s32 $0x88, s3;
	s6 =	simm.s32 @!p1 $0x1082;
	[sflag:s4] =	ssyncset.s32 $0xFFFFF086  }
0x25: {  	[simem:s6], [sflag:s4] =	dma.local [hbm:s3], $0xF7A  }
0x26: {  	[smem:$0x3F9F] =	sst s1;
	(tag) =	ssettag s2;
	_ =	strace s9  }
0x27: {  	s1 =	sld [smem:$0x3FAF]  }
0x28: {  	s2 =	sld [smem:$0x3FB0]  }
0x29: {  	s4 =	sld [smem:$0x3FB2]  }
0x2a: {  	p0 =	seq.s32 s5, $0x0;
	s5 =	sld [smem:$0x3FB3]  }
0x2b: {  	s6 =	sld [smem:$0x3FB4]  }
0x2c: {  	s7 =	sld [smem:$0x3FB5]  }
0x2d: {  	s3 =	simm.s32 $0x108;
	s8 =	sld [smem:$0x3FB6]  }
0x2e: {  	s3 =	simm.s32 @!p0 $0x1082;
	s9 =	sld [smem:$0x3FB7]  }
0x2f: {  	lr =	sadd.s32 s0, s3;
	s0 =	sld [smem:$0x3FAE]  }
0x30: {  	s3 =	sld [smem:$0x3FB1]  }
0x31: {  	[smem:$0x3FBA] =	sst s10  }
0x32: {  	s10 =	sld [smem:$0x3FB8];
	_ =	sdelay $0x3  }
0x33: {  	p0 =	seq.s32 s10, $0x1;
	s10 =	sld [smem:$0x3FBA];
	_ =	sdelay $0x3  }
0x34: {  	[smem:$0x3FBA] =	sst s10  }
0x35: {  	s10 =	sld [smem:$0x3FB9];
	_ =	sdelay $0x3  }
0x36: {  	p1 =	seq.s32 s10, $0x1;
	s10 =	sld [smem:$0x3FBA];
	_ =	sdelay $0x3  }
0x37: {  	[smem:$0x3FBA] =	sst s10  }
0x38: {  	s10 =	sld [smem:$0x3FBB]  }
0x39: {  	_ = 	snop;
	(pc) =	sbr.ind lr, $3  }
0x3a: {  	_ = 	snop  }
0x3b: {  	_ = 	snop  }
0x3c: {  	p2 =	seq.s32 s10, $0x1;
	s10 =	sld [smem:$0x3FBA]  }
0x3d: {  	_ =	shalt  }
0x3e: {  	_ =	shalt  }
0x3f: {  	_ =	shalt  }
0x40: {  	_ =	shalt  }
0x41: {  	_ =	shalt  }
0x42: {  	_ =	shalt  }
0x43: {  	_ =	shalt  }
0x44: {  	_ =	shalt  }
0x45: {  	_ =	shalt  }
0x46: {  	_ =	shalt  }
0x47: {  	_ =	shalt  }
0x48: {  	_ =	shalt  }
0x49: {  	_ =	shalt  }
0x4a: {  	_ =	shalt  }
0x4b: {  	_ =	shalt  }
0x4c: {  	_ =	shalt  }
0x4d: {  	_ =	shalt  }
0x4e: {  	_ =	shalt  }
0x4f: {  	_ =	shalt  }
0x50: {  	_ =	shalt  }
0x51: {  	_ =	shalt  }
0x52: {  	_ =	shalt  }
0x53: {  	_ =	shalt  }
0x54: {  	_ =	shalt  }
0x55: {  	_ =	shalt  }
0x56: {  	_ =	shalt  }
0x57: {  	_ =	shalt  }
0x58: {  	_ =	shalt  }
0x59: {  	_ =	shalt  }
0x5a: {  	_ =	shalt  }
0x5b: {  	_ =	shalt  }
0x5c: {  	_ =	shalt  }
0x5d: {  	_ =	shalt  }
0x5e: {  	_ =	shalt  }
0x5f: {  	_ =	shalt  }
0x60: {  	_ =	shalt  }
0x61: {  	_ =	shalt  }
0x62: {  	_ =	shalt  }
0x63: {  	_ =	shalt  }
0x64: {  	_ =	shalt  }
0x65: {  	_ =	shalt  }
0x66: {  	_ =	shalt  }
0x67: {  	_ =	shalt  }
0x68: {  	_ =	shalt  }
0x69: {  	_ =	shalt  }
0x6a: {  	_ =	shalt  }
0x6b: {  	_ =	shalt  }
0x6c: {  	_ =	shalt  }
0x6d: {  	_ =	shalt  }
0x6e: {  	_ =	shalt  }
0x6f: {  	_ =	shalt  }
0x70: {  	_ =	shalt  }
0x71: {  	_ =	shalt  }
0x72: {  	_ =	shalt  }
0x73: {  	_ =	shalt  }
0x74: {  	_ =	shalt  }
0x75: {  	_ =	shalt  }
0x76: {  	_ =	shalt  }
0x77: {  	_ =	shalt  }
0x78: {  	_ =	shalt  }
0x79: {  	_ =	shalt  }
0x7a: {  	_ =	shalt  }
0x7b: {  	_ =	shalt  }
0x7c: {  	_ =	shalt  }
0x7d: {  	_ =	shalt  }
0x7e: {  	_ =	shalt  }
0x7f: {  	_ =	shalt  }
0x80: {  	_ =	shalt  }
0x81: {  	_ =	shalt  }
0x82: {  	_ =	shalt  }
0x83: {  	_ =	shalt  }
0x84: {  	_ =	shalt  }
0x85: {  	_ =	shalt  }
0x86: {  	_ =	shalt  }
0x87: {  	_ =	shalt  }
.Lfunc_end0:
.L_simem_size_0:
called_computation_lowered:
.L_overlay_start_0:
0x88: {  	s2 =	sld [smem:$0x3FD9]  }
0x89: {  	s3 =	sld [smem:$0x3FFE];
	_ =	sdelay $0x1  }
0x8a: {  	s1 =	srdreg.scid  }
0x8b: {  	s0 =	sand.u32 $0x1, s1  }
0x8c: {  	s16 =	sshll.u32 s0, $0xA;
	s2 =	sadd.s32 s3, s2  }
0x8d: {  	s2 =	sadd.s32 s2, s16  }
0x8e: {  	[smem:$0x3FC6] =	sst s2  }
0x8f: {  	_ = 	snop  }
0x90: {  	(tm) =	ssettm $0x1  }
0x91: {  	s17 =	sld [smem:$0x3FFB];
	_ =	sdelay $0x3  }
0x92: {  	_ =	strace s17  }
0x93: {  	s2 =	sld [smem:$0x3FFC];
	_ =	sdelay $0x3  }
0x94: {  	_ =	strace s2  }
0x95: {  	s2 =	sld [smem:$0x3FFD];
	_ =	sdelay $0x3  }
0x96: {  	_ =	strace s2  }
0x97: {  	_ =	strace $0x8FFFFFFF  }
0x98: {  	s18 =	sld [smem:$0x3FDB];
	_ =	sdelay $0x1  }
0x99: {  	s19 =	simm.s32 $_scs_section_size  }
0x9a: {  	s4 =	simm.s32 $_size__tile_overlayer_lowered;
	s5 =	simm.s32 $_tile_overlayer_lowered  }
0x9b: {  	s22 =	simm.s32 $0x1BFF;
	s21 =	sshll.u32 s5, $0x1;
	s2 =	sadd.s32 s19, s18  }
0x9c: {  	s6 =	simm.s32 $0x0;
	s20 =	sshll.u32 s4, $0x1;
	s4 =	sadd.s32 s21, s2  }
0x9d: {  	[timem:s6], [sflag:s22] =	dma.local [hbm:s4], s20  }
0x9e: {  	_ =	swait.ge [sflag:s22], s20  }
0x9f: {  	s3 =	ssub.s32 $0x0, s20;
	[sflag:s22] =	ssyncset.done $0x0  }
0xa0: {  	[sflag:s22] =	ssyncadd.s32 s3;
	_ =	sdelay $0x1  }
0xa1: {  	s23 =	simm.s32 $0x1B8B  }
0xa2: {  	_ =	swait.ge [sflag:s23], $0x1  }
0xa3: {  	[sflag:s23] =	ssyncset.done $0x0  }
0xa4: {  	s25 =	simm.s32 $0x1B8E;
	s24 =	sld [smem:$0x3FFE];
	[sflag:s23] =	ssyncadd.s32 $0xFFFFFFFF  }
0xa5: {  	s26 =	simm.s32 $execute0_lowered;
	[smem:$0x3FD2] =	sst s25  }
0xa6: {  	s4 =	sshll.u32 s26, $0x1;
	_ =	strace $0x80000046;
	[dreg:$0x1] =	wrdreg $0xFFFFFFFF  }
0xa7: {  	s28 =	simm.s32 $_size_execute0_lowered;
	s2 =	sadd.s32 s2, s4;
	[dreg:$0x0] =	wrdreg $0x0  }
0xa8: {  	s4 =	sshll.u32 s28, $0x1;
	[dreg:$0x2] =	wrdreg s2  }
0xa9: {  	[dreg:$0x3] =	wrdreg s4  }
0xaa: {  	[dreg:$0x4] =	wrdreg $0xC0  }
0xab: {  	_ =	task [dreg:s6], $0x5FFFF  }
0xac: {  	[dreg:$0x1] =	wrdreg $0xFFFFFFFF  }
0xad: {  	[dreg:$0x0] =	wrdreg $0x60  }
0xae: {  	[dreg:$0x2] =	wrdreg s24  }
0xaf: {  	[dreg:$0x3] =	wrdreg $0x9  }
0xb0: {  	_ =	task.clear_ibuf [dreg:s6], $0x4FFFF;
	_ =	strace $0x90000046  }
0xb1: {  	s29 =	simm.s32 $0x9;
	_ =	strace $0x80000048  }
0xb2: {  	_ =	swait.ge [sflag:s29], $0x1  }
0xb3: {  	[sflag:s29] =	ssyncadd.s32 $0xFFFFFFFF  }
0xb4: {  	_ =	strace $0x90000048  }
0xb5: {  	_ =	sfence  }
0xb6: {  	s30 =	sld [smem:$0x0];
	_ =	sdelay $0x2  }
0xb7: {  	s31 =	sshll.u32 s1, $0xD;
	s1 =	sshrl.u32 s1, $0x2  }
0xb8: {  	s3 =	sand.u32 $0x4000, s31;
	s1 =	sadd.s32 s1, s30  }
0xb9: {  	s0 =	sor.u32 s3, s0;
	s1 =	sshll.u32 s1, $0x11  }
0xba: {  	s0 =	sor.u32 s1, s0  }
0xbb: {  	s0 =	sadd.s32 $0x8F2B, s0  }
0xbc: {  	[sflag:s0] =	ssyncadd.remote.s32 $0x1  }
0xbd: {  	_ =	sfence.sel $0xFFFF  }
0xbe: {  	[dreg:$0x0] =	wrdreg $0xFFFFFFFF;
	(pc) =	sbr.abs _section_cstart, $3  }
0xbf: {  	[dreg:$0x1] =	wrdreg $0xFFFFFFFF  }
0xc0: {  	_ =	task.clear_ibuf [dreg:s6], $0x2FFFF;
	_ =	strace $0x9FFFFFFF  }
0xc1: {  	(tm) =	ssettm $0x7FFFFFFF  }
tec
execute0_lowered:
.L_overlay_start_1:
0x0: {  	(tag) =	ssettag $0x1  }
0x1: {  	s0 =	srdreg.scid  }
0x2: {  	s9 =	stileid.u32;
	s4 =	rddreg [dreg:$0x0]  }
0x3: {  	s2 =	simm.s32 $0x0;
	s13 =	simm.s32 $0xB;
	s14 =	simm.s32 $0x80  }
0x4: {  	s15 =	simm.s32 $0x1900;
	s28 =	simm.s32 $0x7;
	s29 =	simm.s32 $0x8  }
0x5: {  	s30 =	simm.s32 $0x9;
	s31 =	simm.s32 $0xA;
	s0 =	sand.u32 $0x1, s0  }
0x6: {  	s1 =	sshll.u32 s9, $0x1;
	[smem:$0x7FF] =	sst s2;
	s8 =	sadd.s32 $0xC9E00, s4  }
0x7: {  	s16 =	sshll.u32 s9, $0xE;
	s1 =	sor.u32 s0, s1;
	s5 =	ssub.s32 $0x2, s0  }
0x8: {  	_ =	strace $0x80000047;
	s0 =	sshll.u32 s0, $0xD;
	s3 =	smul.u32 $0x320, s1  }
0x9: {  	s7 =	sshrl.u32 s5, $0x1;
	s1 =	sshll.u32 s1, $0xA;
	s0 =	sor.u32 s0, s16  }
0xa: {  	s5 =	ssub.s32 s5, s7;
	s1 =	sadd.s32 s1, s8;
	s19 =	sor.u32 $0x100000, s0  }
0xb: {  	s21 =	sor.u32 $0xC0000, s0;
	s23 =	sor.u32 $0x80000, s0;
	s25 =	sor.u32 $0x40000, s0  }
0xc: {  	s0 =	sshrl.u32 s0, $0x3;
	s6 =	sadd.s32 s3, s4;
	s3 =	sadd.s32 $0x6800, s4  }
0xd: {  	s18 =	smax.u32 s5, $0x1;
	s7 =	sadd.s32 $0x180000, s1;
	s20 =	sshrl.u32 s19, $0x3  }
0xe: {  	s22 =	sshrl.u32 s21, $0x3;
	s24 =	sshrl.u32 s23, $0x3;
	s26 =	sshrl.u32 s25, $0x3  }
0xf: {  	s0 =	sadd.s32 s0, s8;
	s23 =	simm.s32 $0x1;
	s25 =	simm.s32 $0x5  }
0x10: {  	s17 =	sadd.s32 $0x400, s6;
	[dreg:$0x3] =	wrdreg s18;
	s6 =	sadd.s32 $0x170000, s1  }
.Ltmp0:
0x11: {  	s1 =	sadd.s32 s20, s8;
	[dreg:$0x2] =	wrdreg s17;
	(pc) =	sbr.rel .LBB2_1-.Ltmp0, $4  }
0x12: {  	s18 =	simm.s32 $0x5900;
	[dreg:$0x4] =	wrdreg s1;
	s1 =	sadd.s32 s22, s8  }
0x13: {  	s22 =	simm.s32 $0x9900;
	[dreg:$0x5] =	wrdreg s1;
	s1 =	sadd.s32 s24, s8  }
0x14: {  	s24 =	simm.s32 $0x3;
	[dreg:$0x6] =	wrdreg s1;
	s1 =	sadd.s32 s26, s8  }
0x15: {  	s26 =	simm.s32 $0x6;
	[dreg:$0x7] =	wrdreg s1;
	s1 =	simm.s32 $0x0  }
.LBB2_4:
0x16: {  	_ =	swait.ge [sflag:s26], $0x2000  }
0x17: {  	[sflag:s26] =	ssyncset.done $0x0  }
0x18: {  	[sflag:s26] =	ssyncadd.s32 $0xFFFFE000  }
0x19: {  	_ =	swait.ge [sflag:s28], $0x2000  }
0x1a: {  	[sflag:s28] =	ssyncset.done $0x0  }
0x1b: {  	[sflag:s28] =	ssyncadd.s32 $0xFFFFE000  }
0x1c: {  	_ =	swait.ge [sflag:s29], $0x2000  }
0x1d: {  	[sflag:s29] =	ssyncset.done $0x0  }
0x1e: {  	[sflag:s29] =	ssyncadd.s32 $0xFFFFE000  }
0x1f: {  	_ =	swait.ge [sflag:s30], $0x2000  }
0x20: {  	[sflag:s30] =	ssyncset.done $0x0  }
0x21: {  	[sflag:s30] =	ssyncadd.s32 $0xFFFFE000  }
0x22: {  	_ =	swait.ge [sflag:s31], $0x2000  }
0x23: {  	s1 =	sadd.s32 $0x1, s1;
	s4 =	rddreg [dreg:$0x3]  }
0x24: {  	p0 =	sne.s32 s1, s4  }
.Ltmp1:
0x25: {  	_ = 	snop;
	(pc) =	sbr.rel @!p0 .LBB2_5-.Ltmp1, $3  }
0x26: {  	_ =	sdelay $0x1  }
0x27: {  	[sflag:s31] =	ssyncset.done $0x0  }
0x28: {  	[sflag:s31] =	ssyncadd.s32 $0xFFFFE000  }
.LBB2_1:
0x29: {  	s4 =	rddreg [dreg:$0x2]  }
0x2a: {  	[tilespmem:s2], [sflag:$0xB] =	stream.linear.gather [hbm4b:s4+s2], $0x1900, $0x38;
	[tilespmem:$0xB900] =	vst v63  }
0x2b: {  	_ =	swait.ge [sflag:s13], $0x1900  }
0x2c: {  	[sflag:s13] =	ssyncset.done $0x0  }
0x2d: {  	[sflag:s13] =	ssyncadd.s32 $0xFFFFE700  }
0x2e: {  	[tilespmem:s15], [sflag:$0x1] =	stream.indirect.gather [hbm4b:s3+s14], $0x40, s2, s14, $0xb8;
	[tilespmem:$0xB900] =	vst v63  }
0x2f: {  	s17 =	simm.s32 $0x3900  }
0x30: {  	[tilespmem:s17], [sflag:$0x2] =	stream.indirect.gather [hbm4b:s3+s14], $0x40, s14, s14, $0xb8;
	[tilespmem:$0xB900] =	vst v63  }
0x31: {  	s19 =	simm.s32 $0x100;
	s11 =	rddreg [dreg:$0x7]  }
0x32: {  	[tilespmem:s18], [sflag:$0x3] =	stream.indirect.gather [hbm4b:s3+s14], $0x40, s19, s14, $0xb8;
	[tilespmem:$0xB900] =	vst v63  }
0x33: {  	s20 =	simm.s32 $0x180;
	s5 =	simm.s32 $0x7900;
	s10 =	rddreg [dreg:$0x6]  }
0x34: {  	[tilespmem:s5], [sflag:$0x4] =	stream.indirect.gather [hbm4b:s3+s14], $0x40, s20, s14, $0xb8;
	[tilespmem:$0xB900] =	vst v63  }
0x35: {  	s21 =	simm.s32 $0x200;
	s9 =	rddreg [dreg:$0x5]  }
0x36: {  	[tilespmem:s22], [sflag:$0x5] =	stream.indirect.gather [hbm4b:s3+s14], $0x40, s21, s14, $0xb8;
	[tilespmem:$0xB900] =	vst v63  }
0x37: {  	s12 =	smov.u32 s0;
	s8 =	rddreg [dreg:$0x4];
	s21 =	simm.s32 $0x0  }
.LBB2_2:
0x38: {  	_ =	swait.ge [sflag:s23], $0x2000  }
0x39: {  	p0 =	seq.s32 s21, $0x5A00;
	[sflag:s23] =	ssyncset.done $0x0  }
0x3a: {  	s4 =	simm.s32 @p0 $0x2;
	[sflag:s23] =	ssyncadd.s32 $0xFFFFE000  }
0x3b: {  	[hbm4b:s12+s2] =	stream.linear.scatter [tilespmem:s15], [sflag:$0x6], $0x2000, $0x38;
	[tilespmem:$0xB900] =	vst v63  }
0x3c: {  	_ =	swait.ge @p0 [sflag:s4], $0x2000  }
0x3d: {  	[sflag:s4] =	ssyncset.done @p0 $0x0  }
0x3e: {  	s5 =	simm.s32 @p0 $0x3900;
	[sflag:s4] =	ssyncadd.s32 @p0 $0xFFFFE000;
	s4 =	simm.s32 @p0 $0x0  }
0x3f: {  	[hbm4b:s6+s4] =	stream.linear.scatter @p0 [tilespmem:s5], [sflag:$0x7], $0x2000, $0x38;
	[tilespmem:$0xB900] =	vst v63  }
0x40: {  	s5 =	simm.s32 @!p0 $0x6  }
0x41: {  	_ =	swait.ge @!p0 [sflag:s5], $0x2000  }
0x42: {  	[sflag:s5] =	ssyncset.done @!p0 $0x0  }
0x43: {  	[sflag:s5] =	ssyncadd.s32 @!p0 $0xFFFFE000;
	s5 =	sshra.s32 @!p0 s21, $0x2  }
0x44: {  	s19 =	simm.s32 @!p0 $0x80;
	s17 =	simm.s32 @!p0 $0x1900;
	s20 =	sadd.s32 @!p0 $0x280, s5  }
0x45: {  	[tilespmem:s17], [sflag:$0x1] =	stream.indirect.gather @!p0 [hbm4b:s3+s19], $0x40, s20, s19, $0xb8;
	[tilespmem:$0xB900] =	vst v63  }
0x46: {  	s17 =	simm.s32 @!p0 $0x2  }
0x47: {  	_ =	swait.ge @!p0 [sflag:s17], $0x2000  }
0x48: {  	s16 =	simm.s32 @!p0 $0x7;
	[sflag:s17] =	ssyncset.done @!p0 $0x0  }
0x49: {  	s20 =	simm.s32 @!p0 $0x3900;
	[sflag:s17] =	ssyncadd.s32 @!p0 $0xFFFFE000;
	s17 =	simm.s32 @!p0 $0x0  }
0x4a: {  	[hbm4b:s11+s17] =	stream.linear.scatter @!p0 [tilespmem:s20], [sflag:$0x7], $0x2000, $0x38;
	[tilespmem:$0xB900] =	vst v63  }
0x4b: {  	_ =	swait.ge @!p0 [sflag:s16], $0x2000  }
0x4c: {  	[sflag:s16] =	ssyncset.done @!p0 $0x0  }
0x4d: {  	[sflag:s16] =	ssyncadd.s32 @!p0 $0xFFFFE000;
	s16 =	sadd.s32 @!p0 $0x300, s5  }
0x4e: {  	[tilespmem:s20], [sflag:$0x2] =	stream.indirect.gather @!p0 [hbm4b:s3+s19], $0x40, s16, s19, $0xb8;
	[tilespmem:$0xB900] =	vst v63  }
0x4f: {  	_ =	swait.ge [sflag:s24], $0x2000  }
0x50: {  	[sflag:s24] =	ssyncset.done $0x0  }
0x51: {  	s16 =	simm.s32 @p0 $0x4;
	[sflag:s24] =	ssyncadd.s32 $0xFFFFE000  }
0x52: {  	[hbm4b:s10+s2] =	stream.linear.scatter [tilespmem:s18], [sflag:$0x8], $0x2000, $0x38;
	[tilespmem:$0xB900] =	vst v63  }
0x53: {  	_ =	swait.ge @p0 [sflag:s16], $0x2000  }
0x54: {  	[sflag:s16] =	ssyncset.done @p0 $0x0  }
0x55: {  	[sflag:s16] =	ssyncadd.s32 @p0 $0xFFFFE000;
	s16 =	simm.s32 @p0 $0x7900  }
0x56: {  	[hbm4b:s7+s4] =	stream.linear.scatter @p0 [tilespmem:s16], [sflag:$0x9], $0x2000, $0x38;
	[tilespmem:$0xB900] =	vst v63  }
0x57: {  	s4 =	simm.s32 @!p0 $0x8  }
0x58: {  	_ =	swait.ge @!p0 [sflag:s4], $0x2000  }
0x59: {  	[sflag:s4] =	ssyncset.done @!p0 $0x0  }
0x5a: {  	s16 =	simm.s32 @!p0 $0x5900;
	[sflag:s4] =	ssyncadd.s32 @!p0 $0xFFFFE000;
	s4 =	sadd.s32 @!p0 $0x380, s5  }
0x5b: {  	[tilespmem:s16], [sflag:$0x3] =	stream.indirect.gather @!p0 [hbm4b:s3+s19], $0x40, s4, s19, $0xb8;
	[tilespmem:$0xB900] =	vst v63  }
0x5c: {  	s4 =	simm.s32 @!p0 $0x4  }
0x5d: {  	_ =	swait.ge @!p0 [sflag:s4], $0x2000  }
0x5e: {  	[sflag:s4] =	ssyncset.done @!p0 $0x0  }
0x5f: {  	s16 =	simm.s32 @!p0 $0x9;
	[sflag:s4] =	ssyncadd.s32 @!p0 $0xFFFFE000;
	s4 =	simm.s32 @!p0 $0x7900  }
0x60: {  	[hbm4b:s9+s17] =	stream.linear.scatter @!p0 [tilespmem:s4], [sflag:$0x9], $0x2000, $0x38;
	[tilespmem:$0xB900] =	vst v63  }
0x61: {  	_ =	swait.ge @!p0 [sflag:s16], $0x2000  }
0x62: {  	[sflag:s16] =	ssyncset.done @!p0 $0x0  }
0x63: {  	s5 =	sadd.s32 @!p0 $0x400, s5;
	[sflag:s16] =	ssyncadd.s32 @!p0 $0xFFFFE000  }
0x64: {  	[tilespmem:s4], [sflag:$0x4] =	stream.indirect.gather @!p0 [hbm4b:s3+s19], $0x40, s5, s19, $0xb8;
	[tilespmem:$0xB900] =	vst v63  }
.Ltmp2:
0x65: {  	_ = 	snop;
	(pc) =	sbr.rel @p0 .LBB2_4-.Ltmp2, $4  }
0x66: {  	_ =	swait.ge [sflag:s25], $0x2000  }
0x67: {  	[sflag:s25] =	ssyncset.done $0x0  }
0x68: {  	[sflag:s25] =	ssyncadd.s32 $0xFFFFE000  }
0x69: {  	[hbm4b:s8+s2] =	stream.linear.scatter [tilespmem:s22], [sflag:$0xA], $0x2000, $0x38;
	[tilespmem:$0xB900] =	vst v63  }
.Ltmp3:
0x6a: {  	_ =	swait.ge [sflag:s31], $0x2000;
	s4 =	sshra.s32 s21, $0x2;
	(pc) =	sbr.rel .LBB2_2-.Ltmp3, $4  }
0x6b: {  	s21 =	sadd.s32 $0xA00, s21;
	s8 =	sadd.s32 $0x28000, s8;
	s9 =	sadd.s32 $0x28000, s9  }
0x6c: {  	s10 =	sadd.s32 $0x28000, s10;
	s11 =	sadd.s32 $0x28000, s11;
	[sflag:s31] =	ssyncset.done $0x0  }
0x6d: {  	s12 =	sadd.s32 $0x28000, s12;
	s4 =	sadd.s32 $0x480, s4;
	[sflag:s31] =	ssyncadd.s32 $0xFFFFE000  }
0x6e: {  	[tilespmem:s22], [sflag:$0x5] =	stream.indirect.gather [hbm4b:s3+s14], $0x40, s4, s14, $0xb8;
	[tilespmem:$0xB900] =	vst v63  }
.LBB2_5:
0x6f: {  	_ =	sfence.sel $0x180000  }
0x70: {  	[bflag:$0x0] =	sbarrier.arrive $0xFFFF  }
0x71: {  	_ =	strace $0x90000047  }
0x72: {  	s0 =	stileid.u32;
	[bflag:$0x2] =	sbarrier.arrive $0xFFFF  }
0x73: {  	p0 =	sne.s32 s0, $0x0;
	s0 =	rddreg [dreg:$0x1]  }
0x74: {  	s0 =	sadd.s32 @!p0 $0x100000, s0  }
0x75: {  	[sflag:s0] =	ssyncadd.tile.s32 @!p0 $0x1;
	_ =	shalt  }
.Lfunc_end2:
_tile_overlayer_lowered:
.L_overlay_start_2:
0x76: {  	(tag) =	ssettag $0x2  }
0x77: {  	s0 =	rddreg [dreg:$0x0];
	s2 =	stileid.u32  }
0x78: {  	s1 =	rddreg [dreg:$0x1];
	p0 =	sne.s32 s2, $0x0  }
0x79: {  	s3 =	rddreg [dreg:$0x2];
	[bflag:$0x3] =	sbarrier.arrive $0xFFFF;
	s2 =	simm.s32 @!p0 $0x1C0B  }
0x7a: {  	[timem:s3], [sflag:s2] =	dma.local @!p0 [hbm:s0], s1  }
0x7b: {  	s0 =	simm.s32 @!p0 $0xB  }
0x7c: {  	_ =	swait.ge @!p0 [sflag:s0], s1  }
0x7d: {  	s1 =	ssub.s32 @!p0 $0x0, s1;
	[sflag:s0] =	ssyncset.done @!p0 $0x0  }
0x7e: {  	[sflag:s0] =	ssyncadd.s32 @!p0 s1  }
0x7f: {  	[bflag:$0x3] =	sbarrier.arrive $0xFFFF  }
0x80: {  	_ =	shalt  }

</sc_bundles>
